<compile_context>
chip_gen: v7x
topology: tpu7x:2x2x1
jax: 0.10.2.dev20260603
libtpu: 0.0.44.dev20260713+nightly
codegen_flags: <defaults>
</compile_context>

<pallas_src>
import functools

import jax
import jax.numpy as jnp
from jax import lax
from jax.experimental import pallas as pl
from jax.experimental.pallas import tpu as pltpu
from jax.experimental.pallas import tpu_sc as plsc

VOCAB = 1000
D = 512
_NROW = 4096
_L = 20
B_TOTAL = _NROW * _L


def _project_body(emb_ref, w_ref, b_ref, out_ref):
    p = lax.dot_general(
        emb_ref[...], w_ref[...],
        dimension_numbers=(((1,), (1,)), ((), ())),
        preferred_element_type=jnp.float32,
    )
    out_ref[...] = p + b_ref[...]


def _project_table(emb_table, W, b):
    return pl.pallas_call(
        _project_body,
        out_shape=jax.ShapeDtypeStruct((VOCAB, D), jnp.float32),
    )(emb_table, W, b.reshape(1, D))


_NW = 32
_B_PER_W = B_TOTAL // _NW
_CHUNK = 32
_NCHUNK = _B_PER_W // _CHUNK
_CPP = _NROW // _CHUNK
_NBUF = 6


def _make_gather():
    mesh = plsc.VectorSubcoreMesh(core_axis_name="c", subcore_axis_name="s")

    @functools.partial(
        pl.kernel,
        mesh=mesh,
        out_type=jax.ShapeDtypeStruct((_L, _NROW, D), jnp.float32),
        scratch_types=[
            pltpu.VMEM((_B_PER_W,), jnp.int32),
            pltpu.VMEM((_NBUF, _CHUNK, D), jnp.float32),
            pltpu.SemaphoreType.DMA,
            pltpu.SemaphoreType.DMA,
        ],
    )
    def gather_kernel(table_hbm, idx_hbm, out_hbm, idx_v, rows_v, gsem, wsem):
        wid = lax.axis_index("s") * 2 + lax.axis_index("c")
        base = wid * _B_PER_W
        kappa0 = wid * _NCHUNK
        pltpu.sync_copy(idx_hbm.at[pl.ds(base, _B_PER_W)], idx_v)

        def gcopy(g, slot):
            return pltpu.make_async_copy(
                table_hbm.at[idx_v.at[pl.ds(g * _CHUNK, _CHUNK)]],
                rows_v.at[slot], gsem)

        def wcopy(g, slot):
            kappa = kappa0 + g
            j = kappa // _CPP
            i0 = (kappa % _CPP) * _CHUNK
            return pltpu.make_async_copy(
                rows_v.at[slot],
                out_hbm.at[j, pl.ds(i0, _CHUNK)], wsem)

        for k in range(4):
            gcopy(k, k).start()

        for g in (0, 1):
            gcopy(g, g).wait()
            wcopy(g, g).start()
            gcopy(g + 4, g + 4).start()

        def body(g, _):
            slot = g % _NBUF
            gcopy(g, slot).wait()
            wcopy(g, slot).start()
            wcopy(g - 2, (g - 2) % _NBUF).wait()
            gcopy(g + 4, (g + 4) % _NBUF).start()
            return 0

        lax.fori_loop(2, _NCHUNK - 4, body, 0)

        def tail(g, _):
            gcopy(g, g % _NBUF).wait()
            wcopy(g, g % _NBUF).start()
            wcopy(g - 2, (g - 2) % _NBUF).wait()
            return 0

        lax.fori_loop(_NCHUNK - 4, _NCHUNK, tail, 0)
        wcopy(_NCHUNK - 2, (_NCHUNK - 2) % _NBUF).wait()
        wcopy(_NCHUNK - 1, (_NCHUNK - 1) % _NBUF).wait()

    return gather_kernel


def kernel(notation_ids, emb_table, W, b):
    P = _project_table(emb_table, W, b)
    ids_t = notation_ids.astype(jnp.int32).T.reshape(-1)
    out_planes = _make_gather()(P, ids_t)
    return out_planes.transpose(1, 0, 2)

# --- scband reference (transcript-rebuilt; emitter-appended) ---
"""Pipeline reference for scband-mathematical-notation-53051436040703 (READ-ONLY COPY).

The authoritative reference and input builder live on the scoring server;
editing this copy changes nothing except your own understanding.
"""

import jax, jax.numpy as jnp
import numpy as np

VOCAB = 1000
EMBED_DIM = 512


def setup_inputs(seed: int = 0) -> dict:
    key = jax.random.key(seed)
    k1, k2, k3, k4 = jax.random.split(key, 4)
    notation_ids = jax.random.randint(k1, (4096, 20), 0, VOCAB, dtype=jnp.int64 if jax.config.jax_enable_x64 else jnp.int32)
    # Learned parameters
    emb_table = jax.random.normal(k2, (VOCAB, EMBED_DIM), dtype=jnp.float32)
    # nn.Linear(512, 512): weight [out, in], bias [out]
    bound = 1.0 / np.sqrt(EMBED_DIM)
    W = jax.random.uniform(k3, (EMBED_DIM, EMBED_DIM), dtype=jnp.float32, minval=-bound, maxval=bound)
    b = jax.random.uniform(k4, (EMBED_DIM,), dtype=jnp.float32, minval=-bound, maxval=bound)
    return {"notation_ids": notation_ids, "emb_table": emb_table, "W": W, "b": b}


def reference(notation_ids, emb_table, W, b):
    # embeddings = self.notation_embeddings(notation_ids)
    embeddings = jnp.take(emb_table, notation_ids, axis=0)  # [B, L, 512]
    # return self.symbol_processor(embeddings)  (torch Linear: x @ W.T + b)
    return embeddings @ W.T + b

if __name__ == "__main__":
    import jax
    _d = setup_inputs()
    print(jax.jit(kernel)(*tuple(_d.values())))

</pallas_src>

<mosaic_0001>
#map = affine_map<(d0, d1) -> (0, 0)>
#map1 = affine_map<(d0, d1) -> (0)>
#map2 = affine_map<(d0, d1) -> (0, 0, 0)>
module attributes {stable_mosaic.version = 14 : i64} {
  func.func @gather_kernel(%arg0: i32, %arg1: i32, %arg2: memref<1000x512xf32, #tpu.memory_space<hbm>>, %arg3: memref<81920xi32, #tpu.memory_space<hbm>>, %arg4: memref<20x4096x512xf32, #tpu.memory_space<hbm>>, %arg5: memref<2560xi32, #tpu.memory_space<vmem>>, %arg6: memref<6x32x512xf32, #tpu.memory_space<vmem>>, %arg7: memref<!tpu.dma_semaphore, #tpu.memory_space<semaphore_mem>>, %arg8: memref<!tpu.dma_semaphore, #tpu.memory_space<semaphore_mem>>) attributes {dimension_semantics = [#tpu.dimension_semantics<core_parallel>, #tpu.dimension_semantics<subcore_parallel>], iteration_bounds = array<i64: 2, 16>, scalar_prefetch = 0 : i64, scratch_operands = 4 : i64, tpu.core_type = #tpu.core_type<sc_vector_subcore>, window_params = [{transform_indices = #map}, {transform_indices = #map1}, {transform_indices = #map2}]} {
    %mul3A = arith.constant 2 : i32
    %mul3A_0 = arith.muli %arg1, %mul3A : i32
    %add3A = arith.addi %mul3A_0, %arg0 : i32
    %mul3A_1 = arith.constant 2560 : i32
    %mul3A_2 = arith.muli %add3A, %mul3A_1 : i32
    %mul3A_3 = arith.constant 80 : i32
    %mul3A_4 = arith.muli %add3A, %mul3A_3 : i32
    "tpu.region"() ({
      %run_scoped3A = tpu.sem_alloc : memref<!tpu.dma_semaphore, #tpu.memory_space<semaphore_mem>>
      %dma_start3A_322 = tpu.memref_slice %arg3[%mul3A_2] : memref<81920xi32, #tpu.memory_space<hbm>> -> memref<2560xi32, #tpu.memory_space<hbm>>
      %dma_start3A_323 = tpu.memref_slice %arg3[%mul3A_2] : memref<81920xi32, #tpu.memory_space<hbm>> -> memref<2560xi32, #tpu.memory_space<hbm>>
      tpu.enqueue_dma source(%dma_start3A_323 : memref<2560xi32, #tpu.memory_space<hbm>>) target(%arg5 : memref<2560xi32, #tpu.memory_space<vmem>>) target_semaphore(%run_scoped3A : memref<!tpu.dma_semaphore, #tpu.memory_space<semaphore_mem>>)
      %dma_wait3A_324 = tpu.memref_slice %arg3[%mul3A_2] : memref<81920xi32, #tpu.memory_space<hbm>> -> memref<2560xi32, #tpu.memory_space<hbm>>
      %dma_wait3A_325 = tpu.memref_slice %arg3[%mul3A_2] : memref<81920xi32, #tpu.memory_space<hbm>> -> memref<2560xi32, #tpu.memory_space<hbm>>
      tpu.wait_dma2 semaphore(%run_scoped3A : memref<!tpu.dma_semaphore, #tpu.memory_space<semaphore_mem>>) src(%dma_wait3A_325 : memref<2560xi32, #tpu.memory_space<hbm>>) dst(%arg5 : memref<2560xi32, #tpu.memory_space<vmem>>)
      tpu.yield
    }) : () -> ()
    %dma_start3A = arith.constant 0 : i32
    %dma_start3A_5 = arith.constant 0 : i32
    %dma_start3A_6 = arith.constant 0 : i32
    %dma_start3A_7 = tpu.memref_slice %arg6[%dma_start3A, %dma_start3A_5, %dma_start3A_6] : memref<6x32x512xf32, #tpu.memory_space<vmem>> -> memref<1x32x512xf32, #tpu.memory_space<vmem>>
    %dma_start3A_8 = tpu.memref_squeeze %dma_start3A_7 : memref<1x32x512xf32, #tpu.memory_space<vmem>> -> memref<32x512xf32, #tpu.memory_space<vmem>>
    %dma_start3A_9 = arith.constant 0 : i32
    %dma_start3A_10 = tpu.memref_slice %arg5[%dma_start3A_9] : memref<2560xi32, #tpu.memory_space<vmem>> -> memref<32xi32, #tpu.memory_space<vmem>>
    %dma_start3A_11 = arith.constant 0 : i32
    %dma_start3A_12 = arith.constant 0 : i32
    %dma_start3A_13 = tpu.memref_slice %arg2[%dma_start3A_11, %dma_start3A_12] : memref<1000x512xf32, #tpu.memory_space<hbm>> -> memref<1000x512xf32, #tpu.memory_space<hbm>>
    tpu.enqueue_indirect_dma source(%dma_start3A_13 : memref<1000x512xf32, #tpu.memory_space<hbm>>) target(%dma_start3A_8 : memref<32x512xf32, #tpu.memory_space<vmem>>) offsets(%dma_start3A_10 : memref<32xi32, #tpu.memory_space<vmem>>) semaphore(%arg7 : memref<!tpu.dma_semaphore, #tpu.memory_space<semaphore_mem>>)
    %dma_start3A_14 = arith.constant 1 : i32
    %dma_start3A_15 = arith.constant 0 : i32
    %dma_start3A_16 = arith.constant 0 : i32
    %dma_start3A_17 = tpu.memref_slice %arg6[%dma_start3A_14, %dma_start3A_15, %dma_start3A_16] : memref<6x32x512xf32, #tpu.memory_space<vmem>> -> memref<1x32x512xf32, #tpu.memory_space<vmem>>
    %dma_start3A_18 = tpu.memref_squeeze %dma_start3A_17 : memref<1x32x512xf32, #tpu.memory_space<vmem>> -> memref<32x512xf32, #tpu.memory_space<vmem>>
    %dma_start3A_19 = arith.constant 32 : i32
    %dma_start3A_20 = tpu.memref_slice %arg5[%dma_start3A_19] : memref<2560xi32, #tpu.memory_space<vmem>> -> memref<32xi32, #tpu.memory_space<vmem>>
    %dma_start3A_21 = arith.constant 0 : i32
    %dma_start3A_22 = arith.constant 0 : i32
    %dma_start3A_23 = tpu.memref_slice %arg2[%dma_start3A_21, %dma_start3A_22] : memref<1000x512xf32, #tpu.memory_space<hbm>> -> memref<1000x512xf32, #tpu.memory_space<hbm>>
    tpu.enqueue_indirect_dma source(%dma_start3A_23 : memref<1000x512xf32, #tpu.memory_space<hbm>>) target(%dma_start3A_18 : memref<32x512xf32, #tpu.memory_space<vmem>>) offsets(%dma_start3A_20 : memref<32xi32, #tpu.memory_space<vmem>>) semaphore(%arg7 : memref<!tpu.dma_semaphore, #tpu.memory_space<semaphore_mem>>)
    %dma_start3A_24 = arith.constant 2 : i32
    %dma_start3A_25 = arith.constant 0 : i32
    %dma_start3A_26 = arith.constant 0 : i32
    %dma_start3A_27 = tpu.memref_slice %arg6[%dma_start3A_24, %dma_start3A_25, %dma_start3A_26] : memref<6x32x512xf32, #tpu.memory_space<vmem>> -> memref<1x32x512xf32, #tpu.memory_space<vmem>>
    %dma_start3A_28 = tpu.memref_squeeze %dma_start3A_27 : memref<1x32x512xf32, #tpu.memory_space<vmem>> -> memref<32x512xf32, #tpu.memory_space<vmem>>
    %dma_start3A_29 = arith.constant 64 : i32
    %dma_start3A_30 = tpu.memref_slice %arg5[%dma_start3A_29] : memref<2560xi32, #tpu.memory_space<vmem>> -> memref<32xi32, #tpu.memory_space<vmem>>
    %dma_start3A_31 = arith.constant 0 : i32
    %dma_start3A_32 = arith.constant 0 : i32
    %dma_start3A_33 = tpu.memref_slice %arg2[%dma_start3A_31, %dma_start3A_32] : memref<1000x512xf32, #tpu.memory_space<hbm>> -> memref<1000x512xf32, #tpu.memory_space<hbm>>
    tpu.enqueue_indirect_dma source(%dma_start3A_33 : memref<1000x512xf32, #tpu.memory_space<hbm>>) target(%dma_start3A_28 : memref<32x512xf32, #tpu.memory_space<vmem>>) offsets(%dma_start3A_30 : memref<32xi32, #tpu.memory_space<vmem>>) semaphore(%arg7 : memref<!tpu.dma_semaphore, #tpu.memory_space<semaphore_mem>>)
    %dma_start3A_34 = arith.constant 3 : i32
    %dma_start3A_35 = arith.constant 0 : i32
    %dma_start3A_36 = arith.constant 0 : i32
    %dma_start3A_37 = tpu.memref_slice %arg6[%dma_start3A_34, %dma_start3A_35, %dma_start3A_36] : memref<6x32x512xf32, #tpu.memory_space<vmem>> -> memref<1x32x512xf32, #tpu.memory_space<vmem>>
    %dma_start3A_38 = tpu.memref_squeeze %dma_start3A_37 : memref<1x32x512xf32, #tpu.memory_space<vmem>> -> memref<32x512xf32, #tpu.memory_space<vmem>>
    %dma_start3A_39 = arith.constant 96 : i32
    %dma_start3A_40 = tpu.memref_slice %arg5[%dma_start3A_39] : memref<2560xi32, #tpu.memory_space<vmem>> -> memref<32xi32, #tpu.memory_space<vmem>>
    %dma_start3A_41 = arith.constant 0 : i32
    %dma_start3A_42 = arith.constant 0 : i32
    %dma_start3A_43 = tpu.memref_slice %arg2[%dma_start3A_41, %dma_start3A_42] : memref<1000x512xf32, #tpu.memory_space<hbm>> -> memref<1000x512xf32, #tpu.memory_space<hbm>>
    tpu.enqueue_indirect_dma source(%dma_start3A_43 : memref<1000x512xf32, #tpu.memory_space<hbm>>) target(%dma_start3A_38 : memref<32x512xf32, #tpu.memory_space<vmem>>) offsets(%dma_start3A_40 : memref<32xi32, #tpu.memory_space<vmem>>) semaphore(%arg7 : memref<!tpu.dma_semaphore, #tpu.memory_space<semaphore_mem>>)
    %dma_wait3A = arith.constant 0 : i32
    %dma_wait3A_44 = arith.constant 0 : i32
    %dma_wait3A_45 = arith.constant 0 : i32
    %dma_wait3A_46 = tpu.memref_slice %arg6[%dma_wait3A, %dma_wait3A_44, %dma_wait3A_45] : memref<6x32x512xf32, #tpu.memory_space<vmem>> -> memref<1x32x512xf32, #tpu.memory_space<vmem>>
    %dma_wait3A_47 = tpu.memref_squeeze %dma_wait3A_46 : memref<1x32x512xf32, #tpu.memory_space<vmem>> -> memref<32x512xf32, #tpu.memory_space<vmem>>
    %dma_wait3A_48 = arith.constant 0 : i32
    %dma_wait3A_49 = tpu.memref_slice %arg5[%dma_wait3A_48] : memref<2560xi32, #tpu.memory_space<vmem>> -> memref<32xi32, #tpu.memory_space<vmem>>
    %dma_wait3A_50 = arith.constant 0 : i32
    %dma_wait3A_51 = arith.constant 0 : i32
    %dma_wait3A_52 = tpu.memref_slice %arg2[%dma_wait3A_50, %dma_wait3A_51] : memref<1000x512xf32, #tpu.memory_space<hbm>> -> memref<1000x512xf32, #tpu.memory_space<hbm>>
    tpu.wait_indirect_dma semaphore(%arg7 : memref<!tpu.dma_semaphore, #tpu.memory_space<semaphore_mem>>) src(%dma_wait3A_52 : memref<1000x512xf32, #tpu.memory_space<hbm>>) dst(%dma_wait3A_47 : memref<32x512xf32, #tpu.memory_space<vmem>>)
    %add3A_53 = arith.constant 0 : i32
    %add3A_54 = arith.addi %mul3A_4, %add3A_53 : i32
    %jit3A = arith.constant 128 : i32
    %div3A = arith.divsi %add3A_54, %jit3A : i32
    %sign3A = arith.constant 0 : i32
    %sign3A_55 = arith.cmpi sgt, %add3A_54, %sign3A : i32
    %sign3A_56 = arith.extui %sign3A_55 : i1 to i32
    %sign3A_57 = arith.constant 0 : i32
    %sign3A_58 = arith.cmpi slt, %add3A_54, %sign3A_57 : i32
    %sign3A_59 = arith.extui %sign3A_58 : i1 to i32
    %sign3A_60 = arith.subi %sign3A_56, %sign3A_59 : i32
    %sign3A_61 = arith.constant 0 : i32
    %sign3A_62 = arith.cmpi sgt, %jit3A, %sign3A_61 : i32
    %sign3A_63 = arith.extui %sign3A_62 : i1 to i32
    %sign3A_64 = arith.constant 0 : i32
    %sign3A_65 = arith.cmpi slt, %jit3A, %sign3A_64 : i32
    %sign3A_66 = arith.extui %sign3A_65 : i1 to i32
    %sign3A_67 = arith.subi %sign3A_63, %sign3A_66 : i32
    %ne3A = arith.cmpi ne, %sign3A_60, %sign3A_67 : i32
    %rem3A = arith.remsi %add3A_54, %jit3A : i32
    %ne3A_68 = arith.constant 0 : i32
    %ne3A_69 = arith.cmpi ne, %rem3A, %ne3A_68 : i32
    %and3A = arith.andi %ne3A, %ne3A_69 : i1
    %sub3A = arith.constant 1 : i32
    %sub3A_70 = arith.subi %div3A, %sub3A : i32
    %select_n3A = arith.select %and3A, %sub3A_70, %div3A : i32
    %jit3A_71 = arith.constant 128 : i32
    %eq3A = arith.constant 0 : i32
    %eq3A_72 = arith.cmpi eq, %jit3A_71, %eq3A : i32
    %jit3A_73 = arith.constant 1 : i32
    %select_n3A_74 = arith.select %eq3A_72, %jit3A_73, %jit3A_71 : i32
    %rem3A_75 = arith.remsi %add3A_54, %select_n3A_74 : i32
    %ne3A_76 = arith.constant 0 : i32
    %ne3A_77 = arith.cmpi ne, %rem3A_75, %ne3A_76 : i32
    %lt3A = arith.constant 0 : i32
    %lt3A_78 = arith.cmpi slt, %rem3A_75, %lt3A : i32
    %lt3A_79 = arith.constant 0 : i32
    %lt3A_80 = arith.cmpi slt, %select_n3A_74, %lt3A_79 : i32
    %ne3A_81 = arith.xori %lt3A_78, %lt3A_80 : i1
    %and3A_82 = arith.andi %ne3A_81, %ne3A_77 : i1
    %add3A_83 = arith.addi %rem3A_75, %select_n3A_74 : i32
    %select_n3A_84 = arith.select %and3A_82, %add3A_83, %rem3A_75 : i32
    %mul3A_85 = arith.constant 32 : i32
    %mul3A_86 = arith.muli %select_n3A_84, %mul3A_85 : i32
    %dma_start3A_87 = arith.constant 0 : i32
    %dma_start3A_88 = arith.constant 0 : i32
    %dma_start3A_89 = arith.constant 0 : i32
    %dma_start3A_90 = tpu.memref_slice %arg6[%dma_start3A_87, %dma_start3A_88, %dma_start3A_89] : memref<6x32x512xf32, #tpu.memory_space<vmem>> -> memref<1x32x512xf32, #tpu.memory_space<vmem>>
    %dma_start3A_91 = tpu.memref_squeeze %dma_start3A_90 : memref<1x32x512xf32, #tpu.memory_space<vmem>> -> memref<32x512xf32, #tpu.memory_space<vmem>>
    %dma_start3A_92 = arith.constant 0 : i32
    %dma_start3A_93 = tpu.memref_slice %arg4[%select_n3A, %mul3A_86, %dma_start3A_92] : memref<20x4096x512xf32, #tpu.memory_space<hbm>> -> memref<1x32x512xf32, #tpu.memory_space<hbm>>
    %dma_start3A_94 = tpu.memref_squeeze %dma_start3A_93 : memref<1x32x512xf32, #tpu.memory_space<hbm>> -> memref<32x512xf32, #tpu.memory_space<hbm>>
    %dma_start3A_95 = arith.constant 0 : i32
    %dma_start3A_96 = tpu.memref_slice %arg4[%select_n3A, %mul3A_86, %dma_start3A_95] : memref<20x4096x512xf32, #tpu.memory_space<hbm>> -> memref<1x32x512xf32, #tpu.memory_space<hbm>>
    %dma_start3A_97 = tpu.memref_squeeze %dma_start3A_96 : memref<1x32x512xf32, #tpu.memory_space<hbm>> -> memref<32x512xf32, #tpu.memory_space<hbm>>
    %dma_start3A_98 = arith.constant 0 : i32
    %dma_start3A_99 = arith.constant 0 : i32
    %dma_start3A_100 = tpu.memref_slice %arg6[%dma_start3A_87, %dma_start3A_98, %dma_start3A_99] : memref<6x32x512xf32, #tpu.memory_space<vmem>> -> memref<1x32x512xf32, #tpu.memory_space<vmem>>
    %dma_start3A_101 = tpu.memref_squeeze %dma_start3A_100 : memref<1x32x512xf32, #tpu.memory_space<vmem>> -> memref<32x512xf32, #tpu.memory_space<vmem>>
    tpu.enqueue_dma source(%dma_start3A_101 : memref<32x512xf32, #tpu.memory_space<vmem>>) target(%dma_start3A_97 : memref<32x512xf32, #tpu.memory_space<hbm>>) target_semaphore(%arg8 : memref<!tpu.dma_semaphore, #tpu.memory_space<semaphore_mem>>)
    %dma_start3A_102 = arith.constant 4 : i32
    %dma_start3A_103 = arith.constant 0 : i32
    %dma_start3A_104 = arith.constant 0 : i32
    %dma_start3A_105 = tpu.memref_slice %arg6[%dma_start3A_102, %dma_start3A_103, %dma_start3A_104] : memref<6x32x512xf32, #tpu.memory_space<vmem>> -> memref<1x32x512xf32, #tpu.memory_space<vmem>>
    %dma_start3A_106 = tpu.memref_squeeze %dma_start3A_105 : memref<1x32x512xf32, #tpu.memory_space<vmem>> -> memref<32x512xf32, #tpu.memory_space<vmem>>
    %dma_start3A_107 = arith.constant 128 : i32
    %dma_start3A_108 = tpu.memref_slice %arg5[%dma_start3A_107] : memref<2560xi32, #tpu.memory_space<vmem>> -> memref<32xi32, #tpu.memory_space<vmem>>
    %dma_start3A_109 = arith.constant 0 : i32
    %dma_start3A_110 = arith.constant 0 : i32
    %dma_start3A_111 = tpu.memref_slice %arg2[%dma_start3A_109, %dma_start3A_110] : memref<1000x512xf32, #tpu.memory_space<hbm>> -> memref<1000x512xf32, #tpu.memory_space<hbm>>
    tpu.enqueue_indirect_dma source(%dma_start3A_111 : memref<1000x512xf32, #tpu.memory_space<hbm>>) target(%dma_start3A_106 : memref<32x512xf32, #tpu.memory_space<vmem>>) offsets(%dma_start3A_108 : memref<32xi32, #tpu.memory_space<vmem>>) semaphore(%arg7 : memref<!tpu.dma_semaphore, #tpu.memory_space<semaphore_mem>>)
    %dma_wait3A_112 = arith.constant 1 : i32
    %dma_wait3A_113 = arith.constant 0 : i32
    %dma_wait3A_114 = arith.constant 0 : i32
    %dma_wait3A_115 = tpu.memref_slice %arg6[%dma_wait3A_112, %dma_wait3A_113, %dma_wait3A_114] : memref<6x32x512xf32, #tpu.memory_space<vmem>> -> memref<1x32x512xf32, #tpu.memory_space<vmem>>
    %dma_wait3A_116 = tpu.memref_squeeze %dma_wait3A_115 : memref<1x32x512xf32, #tpu.memory_space<vmem>> -> memref<32x512xf32, #tpu.memory_space<vmem>>
    %dma_wait3A_117 = arith.constant 32 : i32
    %dma_wait3A_118 = tpu.memref_slice %arg5[%dma_wait3A_117] : memref<2560xi32, #tpu.memory_space<vmem>> -> memref<32xi32, #tpu.memory_space<vmem>>
    %dma_wait3A_119 = arith.constant 0 : i32
    %dma_wait3A_120 = arith.constant 0 : i32
    %dma_wait3A_121 = tpu.memref_slice %arg2[%dma_wait3A_119, %dma_wait3A_120] : memref<1000x512xf32, #tpu.memory_space<hbm>> -> memref<1000x512xf32, #tpu.memory_space<hbm>>
    tpu.wait_indirect_dma semaphore(%arg7 : memref<!tpu.dma_semaphore, #tpu.memory_space<semaphore_mem>>) src(%dma_wait3A_121 : memref<1000x512xf32, #tpu.memory_space<hbm>>) dst(%dma_wait3A_116 : memref<32x512xf32, #tpu.memory_space<vmem>>)
    %add3A_122 = arith.constant 1 : i32
    %add3A_123 = arith.addi %mul3A_4, %add3A_122 : i32
    %jit3A_124 = arith.constant 128 : i32
    %div3A_125 = arith.divsi %add3A_123, %jit3A_124 : i32
    %sign3A_126 = arith.constant 0 : i32
    %sign3A_127 = arith.cmpi sgt, %add3A_123, %sign3A_126 : i32
    %sign3A_128 = arith.extui %sign3A_127 : i1 to i32
    %sign3A_129 = arith.constant 0 : i32
    %sign3A_130 = arith.cmpi slt, %add3A_123, %sign3A_129 : i32
    %sign3A_131 = arith.extui %sign3A_130 : i1 to i32
    %sign3A_132 = arith.subi %sign3A_128, %sign3A_131 : i32
    %sign3A_133 = arith.constant 0 : i32
    %sign3A_134 = arith.cmpi sgt, %jit3A_124, %sign3A_133 : i32
    %sign3A_135 = arith.extui %sign3A_134 : i1 to i32
    %sign3A_136 = arith.constant 0 : i32
    %sign3A_137 = arith.cmpi slt, %jit3A_124, %sign3A_136 : i32
    %sign3A_138 = arith.extui %sign3A_137 : i1 to i32
    %sign3A_139 = arith.subi %sign3A_135, %sign3A_138 : i32
    %ne3A_140 = arith.cmpi ne, %sign3A_132, %sign3A_139 : i32
    %rem3A_141 = arith.remsi %add3A_123, %jit3A_124 : i32
    %ne3A_142 = arith.constant 0 : i32
    %ne3A_143 = arith.cmpi ne, %rem3A_141, %ne3A_142 : i32
    %and3A_144 = arith.andi %ne3A_140, %ne3A_143 : i1
    %sub3A_145 = arith.constant 1 : i32
    %sub3A_146 = arith.subi %div3A_125, %sub3A_145 : i32
    %select_n3A_147 = arith.select %and3A_144, %sub3A_146, %div3A_125 : i32
    %jit3A_148 = arith.constant 128 : i32
    %eq3A_149 = arith.constant 0 : i32
    %eq3A_150 = arith.cmpi eq, %jit3A_148, %eq3A_149 : i32
    %jit3A_151 = arith.constant 1 : i32
    %select_n3A_152 = arith.select %eq3A_150, %jit3A_151, %jit3A_148 : i32
    %rem3A_153 = arith.remsi %add3A_123, %select_n3A_152 : i32
    %ne3A_154 = arith.constant 0 : i32
    %ne3A_155 = arith.cmpi ne, %rem3A_153, %ne3A_154 : i32
    %lt3A_156 = arith.constant 0 : i32
    %lt3A_157 = arith.cmpi slt, %rem3A_153, %lt3A_156 : i32
    %lt3A_158 = arith.constant 0 : i32
    %lt3A_159 = arith.cmpi slt, %select_n3A_152, %lt3A_158 : i32
    %ne3A_160 = arith.xori %lt3A_157, %lt3A_159 : i1
    %and3A_161 = arith.andi %ne3A_160, %ne3A_155 : i1
    %add3A_162 = arith.addi %rem3A_153, %select_n3A_152 : i32
    %select_n3A_163 = arith.select %and3A_161, %add3A_162, %rem3A_153 : i32
    %mul3A_164 = arith.constant 32 : i32
    %mul3A_165 = arith.muli %select_n3A_163, %mul3A_164 : i32
    %dma_start3A_166 = arith.constant 1 : i32
    %dma_start3A_167 = arith.constant 0 : i32
    %dma_start3A_168 = arith.constant 0 : i32
    %dma_start3A_169 = tpu.memref_slice %arg6[%dma_start3A_166, %dma_start3A_167, %dma_start3A_168] : memref<6x32x512xf32, #tpu.memory_space<vmem>> -> memref<1x32x512xf32, #tpu.memory_space<vmem>>
    %dma_start3A_170 = tpu.memref_squeeze %dma_start3A_169 : memref<1x32x512xf32, #tpu.memory_space<vmem>> -> memref<32x512xf32, #tpu.memory_space<vmem>>
    %dma_start3A_171 = arith.constant 0 : i32
    %dma_start3A_172 = tpu.memref_slice %arg4[%select_n3A_147, %mul3A_165, %dma_start3A_171] : memref<20x4096x512xf32, #tpu.memory_space<hbm>> -> memref<1x32x512xf32, #tpu.memory_space<hbm>>
    %dma_start3A_173 = tpu.memref_squeeze %dma_start3A_172 : memref<1x32x512xf32, #tpu.memory_space<hbm>> -> memref<32x512xf32, #tpu.memory_space<hbm>>
    %dma_start3A_174 = arith.constant 0 : i32
    %dma_start3A_175 = tpu.memref_slice %arg4[%select_n3A_147, %mul3A_165, %dma_start3A_174] : memref<20x4096x512xf32, #tpu.memory_space<hbm>> -> memref<1x32x512xf32, #tpu.memory_space<hbm>>
    %dma_start3A_176 = tpu.memref_squeeze %dma_start3A_175 : memref<1x32x512xf32, #tpu.memory_space<hbm>> -> memref<32x512xf32, #tpu.memory_space<hbm>>
    %dma_start3A_177 = arith.constant 0 : i32
    %dma_start3A_178 = arith.constant 0 : i32
    %dma_start3A_179 = tpu.memref_slice %arg6[%dma_start3A_166, %dma_start3A_177, %dma_start3A_178] : memref<6x32x512xf32, #tpu.memory_space<vmem>> -> memref<1x32x512xf32, #tpu.memory_space<vmem>>
    %dma_start3A_180 = tpu.memref_squeeze %dma_start3A_179 : memref<1x32x512xf32, #tpu.memory_space<vmem>> -> memref<32x512xf32, #tpu.memory_space<vmem>>
    tpu.enqueue_dma source(%dma_start3A_180 : memref<32x512xf32, #tpu.memory_space<vmem>>) target(%dma_start3A_176 : memref<32x512xf32, #tpu.memory_space<hbm>>) target_semaphore(%arg8 : memref<!tpu.dma_semaphore, #tpu.memory_space<semaphore_mem>>)
    %dma_start3A_181 = arith.constant 5 : i32
    %dma_start3A_182 = arith.constant 0 : i32
    %dma_start3A_183 = arith.constant 0 : i32
    %dma_start3A_184 = tpu.memref_slice %arg6[%dma_start3A_181, %dma_start3A_182, %dma_start3A_183] : memref<6x32x512xf32, #tpu.memory_space<vmem>> -> memref<1x32x512xf32, #tpu.memory_space<vmem>>
    %dma_start3A_185 = tpu.memref_squeeze %dma_start3A_184 : memref<1x32x512xf32, #tpu.memory_space<vmem>> -> memref<32x512xf32, #tpu.memory_space<vmem>>
    %dma_start3A_186 = arith.constant 160 : i32
    %dma_start3A_187 = tpu.memref_slice %arg5[%dma_start3A_186] : memref<2560xi32, #tpu.memory_space<vmem>> -> memref<32xi32, #tpu.memory_space<vmem>>
    %dma_start3A_188 = arith.constant 0 : i32
    %dma_start3A_189 = arith.constant 0 : i32
    %dma_start3A_190 = tpu.memref_slice %arg2[%dma_start3A_188, %dma_start3A_189] : memref<1000x512xf32, #tpu.memory_space<hbm>> -> memref<1000x512xf32, #tpu.memory_space<hbm>>
    tpu.enqueue_indirect_dma source(%dma_start3A_190 : memref<1000x512xf32, #tpu.memory_space<hbm>>) target(%dma_start3A_185 : memref<32x512xf32, #tpu.memory_space<vmem>>) offsets(%dma_start3A_187 : memref<32xi32, #tpu.memory_space<vmem>>) semaphore(%arg7 : memref<!tpu.dma_semaphore, #tpu.memory_space<semaphore_mem>>)
    %scan3A = arith.constant 0 : i32
    %scan3A_191 = arith.constant 2 : i32
    %scan3A_192 = arith.constant 74 : i32
    %scan3A_193 = arith.addi %scan3A_191, %scan3A_192 : i32
    %scan3A_194 = arith.constant 1 : i32
    %scan3A_195 = scf.for %scan3A_322 = %scan3A_191 to %scan3A_193 step %scan3A_194 iter_args(%scan3A_323 = %scan3A) -> (i32)  : i32 {
      %jit3A_324 = arith.constant 6 : i32
      %eq3A_325 = arith.constant 0 : i32
      %eq3A_326 = arith.cmpi eq, %jit3A_324, %eq3A_325 : i32
      %jit3A_327 = arith.constant 1 : i32
      %select_n3A_328 = arith.select %eq3A_326, %jit3A_327, %jit3A_324 : i32
      %rem3A_329 = arith.remsi %scan3A_322, %select_n3A_328 : i32
      %ne3A_330 = arith.constant 0 : i32
      %ne3A_331 = arith.cmpi ne, %rem3A_329, %ne3A_330 : i32
      %lt3A_332 = arith.constant 0 : i32
      %lt3A_333 = arith.cmpi slt, %rem3A_329, %lt3A_332 : i32
      %lt3A_334 = arith.constant 0 : i32
      %lt3A_335 = arith.cmpi slt, %select_n3A_328, %lt3A_334 : i32
      %ne3A_336 = arith.xori %lt3A_333, %lt3A_335 : i1
      %and3A_337 = arith.andi %ne3A_336, %ne3A_331 : i1
      %add3A_338 = arith.addi %rem3A_329, %select_n3A_328 : i32
      %select_n3A_339 = arith.select %and3A_337, %add3A_338, %rem3A_329 : i32
      %mul3A_340 = arith.constant 32 : i32
      %mul3A_341 = arith.muli %scan3A_322, %mul3A_340 : i32
      %dma_wait3A_342 = arith.constant 0 : i32
      %dma_wait3A_343 = arith.constant 0 : i32
      %dma_wait3A_344 = tpu.memref_slice %arg6[%select_n3A_339, %dma_wait3A_342, %dma_wait3A_343] : memref<6x32x512xf32, #tpu.memory_space<vmem>> -> memref<1x32x512xf32, #tpu.memory_space<vmem>>
      %dma_wait3A_345 = tpu.memref_squeeze %dma_wait3A_344 : memref<1x32x512xf32, #tpu.memory_space<vmem>> -> memref<32x512xf32, #tpu.memory_space<vmem>>
      %dma_wait3A_346 = tpu.memref_slice %arg5[%mul3A_341] : memref<2560xi32, #tpu.memory_space<vmem>> -> memref<32xi32, #tpu.memory_space<vmem>>
      %dma_wait3A_347 = arith.constant 0 : i32
      %dma_wait3A_348 = arith.constant 0 : i32
      %dma_wait3A_349 = tpu.memref_slice %arg2[%dma_wait3A_347, %dma_wait3A_348] : memref<1000x512xf32, #tpu.memory_space<hbm>> -> memref<1000x512xf32, #tpu.memory_space<hbm>>
      tpu.wait_indirect_dma semaphore(%arg7 : memref<!tpu.dma_semaphore, #tpu.memory_space<semaphore_mem>>) src(%dma_wait3A_349 : memref<1000x512xf32, #tpu.memory_space<hbm>>) dst(%dma_wait3A_345 : memref<32x512xf32, #tpu.memory_space<vmem>>)
      %add3A_350 = arith.addi %mul3A_4, %scan3A_322 : i32
      %jit3A_351 = arith.constant 128 : i32
      %div3A_352 = arith.divsi %add3A_350, %jit3A_351 : i32
      %sign3A_353 = arith.constant 0 : i32
      %sign3A_354 = arith.cmpi sgt, %add3A_350, %sign3A_353 : i32
      %sign3A_355 = arith.extui %sign3A_354 : i1 to i32
      %sign3A_356 = arith.constant 0 : i32
      %sign3A_357 = arith.cmpi slt, %add3A_350, %sign3A_356 : i32
      %sign3A_358 = arith.extui %sign3A_357 : i1 to i32
      %sign3A_359 = arith.subi %sign3A_355, %sign3A_358 : i32
      %sign3A_360 = arith.constant 0 : i32
      %sign3A_361 = arith.cmpi sgt, %jit3A_351, %sign3A_360 : i32
      %sign3A_362 = arith.extui %sign3A_361 : i1 to i32
      %sign3A_363 = arith.constant 0 : i32
      %sign3A_364 = arith.cmpi slt, %jit3A_351, %sign3A_363 : i32
      %sign3A_365 = arith.extui %sign3A_364 : i1 to i32
      %sign3A_366 = arith.subi %sign3A_362, %sign3A_365 : i32
      %ne3A_367 = arith.cmpi ne, %sign3A_359, %sign3A_366 : i32
      %rem3A_368 = arith.remsi %add3A_350, %jit3A_351 : i32
      %ne3A_369 = arith.constant 0 : i32
      %ne3A_370 = arith.cmpi ne, %rem3A_368, %ne3A_369 : i32
      %and3A_371 = arith.andi %ne3A_367, %ne3A_370 : i1
      %sub3A_372 = arith.constant 1 : i32
      %sub3A_373 = arith.subi %div3A_352, %sub3A_372 : i32
      %select_n3A_374 = arith.select %and3A_371, %sub3A_373, %div3A_352 : i32
      %jit3A_375 = arith.constant 128 : i32
      %eq3A_376 = arith.constant 0 : i32
      %eq3A_377 = arith.cmpi eq, %jit3A_375, %eq3A_376 : i32
      %jit3A_378 = arith.constant 1 : i32
      %select_n3A_379 = arith.select %eq3A_377, %jit3A_378, %jit3A_375 : i32
      %rem3A_380 = arith.remsi %add3A_350, %select_n3A_379 : i32
      %ne3A_381 = arith.constant 0 : i32
      %ne3A_382 = arith.cmpi ne, %rem3A_380, %ne3A_381 : i32
      %lt3A_383 = arith.constant 0 : i32
      %lt3A_384 = arith.cmpi slt, %rem3A_380, %lt3A_383 : i32
      %lt3A_385 = arith.constant 0 : i32
      %lt3A_386 = arith.cmpi slt, %select_n3A_379, %lt3A_385 : i32
      %ne3A_387 = arith.xori %lt3A_384, %lt3A_386 : i1
      %and3A_388 = arith.andi %ne3A_387, %ne3A_382 : i1
      %add3A_389 = arith.addi %rem3A_380, %select_n3A_379 : i32
      %select_n3A_390 = arith.select %and3A_388, %add3A_389, %rem3A_380 : i32
      %mul3A_391 = arith.constant 32 : i32
      %mul3A_392 = arith.muli %select_n3A_390, %mul3A_391 : i32
      %dma_start3A_393 = arith.constant 0 : i32
      %dma_start3A_394 = arith.constant 0 : i32
      %dma_start3A_395 = tpu.memref_slice %arg6[%select_n3A_339, %dma_start3A_393, %dma_start3A_394] : memref<6x32x512xf32, #tpu.memory_space<vmem>> -> memref<1x32x512xf32, #tpu.memory_space<vmem>>
      %dma_start3A_396 = tpu.memref_squeeze %dma_start3A_395 : memref<1x32x512xf32, #tpu.memory_space<vmem>> -> memref<32x512xf32, #tpu.memory_space<vmem>>
      %dma_start3A_397 = arith.constant 0 : i32
      %dma_start3A_398 = tpu.memref_slice %arg4[%select_n3A_374, %mul3A_392, %dma_start3A_397] : memref<20x4096x512xf32, #tpu.memory_space<hbm>> -> memref<1x32x512xf32, #tpu.memory_space<hbm>>
      %dma_start3A_399 = tpu.memref_squeeze %dma_start3A_398 : memref<1x32x512xf32, #tpu.memory_space<hbm>> -> memref<32x512xf32, #tpu.memory_space<hbm>>
      %dma_start3A_400 = arith.constant 0 : i32
      %dma_start3A_401 = tpu.memref_slice %arg4[%select_n3A_374, %mul3A_392, %dma_start3A_400] : memref<20x4096x512xf32, #tpu.memory_space<hbm>> -> memref<1x32x512xf32, #tpu.memory_space<hbm>>
      %dma_start3A_402 = tpu.memref_squeeze %dma_start3A_401 : memref<1x32x512xf32, #tpu.memory_space<hbm>> -> memref<32x512xf32, #tpu.memory_space<hbm>>
      %dma_start3A_403 = arith.constant 0 : i32
      %dma_start3A_404 = arith.constant 0 : i32
      %dma_start3A_405 = tpu.memref_slice %arg6[%select_n3A_339, %dma_start3A_403, %dma_start3A_404] : memref<6x32x512xf32, #tpu.memory_space<vmem>> -> memref<1x32x512xf32, #tpu.memory_space<vmem>>
      %dma_start3A_406 = tpu.memref_squeeze %dma_start3A_405 : memref<1x32x512xf32, #tpu.memory_space<vmem>> -> memref<32x512xf32, #tpu.memory_space<vmem>>
      tpu.enqueue_dma source(%dma_start3A_406 : memref<32x512xf32, #tpu.memory_space<vmem>>) target(%dma_start3A_402 : memref<32x512xf32, #tpu.memory_space<hbm>>) target_semaphore(%arg8 : memref<!tpu.dma_semaphore, #tpu.memory_space<semaphore_mem>>)
      %sub3A_407 = arith.constant 2 : i32
      %sub3A_408 = arith.subi %scan3A_322, %sub3A_407 : i32
      %sub3A_409 = arith.constant 2 : i32
      %sub3A_410 = arith.subi %scan3A_322, %sub3A_409 : i32
      %jit3A_411 = arith.constant 6 : i32
      %eq3A_412 = arith.constant 0 : i32
      %eq3A_413 = arith.cmpi eq, %jit3A_411, %eq3A_412 : i32
      %jit3A_414 = arith.constant 1 : i32
      %select_n3A_415 = arith.select %eq3A_413, %jit3A_414, %jit3A_411 : i32
      %rem3A_416 = arith.remsi %sub3A_410, %select_n3A_415 : i32
      %ne3A_417 = arith.constant 0 : i32
      %ne3A_418 = arith.cmpi ne, %rem3A_416, %ne3A_417 : i32
      %lt3A_419 = arith.constant 0 : i32
      %lt3A_420 = arith.cmpi slt, %rem3A_416, %lt3A_419 : i32
      %lt3A_421 = arith.constant 0 : i32
      %lt3A_422 = arith.cmpi slt, %select_n3A_415, %lt3A_421 : i32
      %ne3A_423 = arith.xori %lt3A_420, %lt3A_422 : i1
      %and3A_424 = arith.andi %ne3A_423, %ne3A_418 : i1
      %add3A_425 = arith.addi %rem3A_416, %select_n3A_415 : i32
      %select_n3A_426 = arith.select %and3A_424, %add3A_425, %rem3A_416 : i32
      %add3A_427 = arith.addi %mul3A_4, %sub3A_408 : i32
      %jit3A_428 = arith.constant 128 : i32
      %div3A_429 = arith.divsi %add3A_427, %jit3A_428 : i32
      %sign3A_430 = arith.constant 0 : i32
      %sign3A_431 = arith.cmpi sgt, %add3A_427, %sign3A_430 : i32
      %sign3A_432 = arith.extui %sign3A_431 : i1 to i32
      %sign3A_433 = arith.constant 0 : i32
      %sign3A_434 = arith.cmpi slt, %add3A_427, %sign3A_433 : i32
      %sign3A_435 = arith.extui %sign3A_434 : i1 to i32
      %sign3A_436 = arith.subi %sign3A_432, %sign3A_435 : i32
      %sign3A_437 = arith.constant 0 : i32
      %sign3A_438 = arith.cmpi sgt, %jit3A_428, %sign3A_437 : i32
      %sign3A_439 = arith.extui %sign3A_438 : i1 to i32
      %sign3A_440 = arith.constant 0 : i32
      %sign3A_441 = arith.cmpi slt, %jit3A_428, %sign3A_440 : i32
      %sign3A_442 = arith.extui %sign3A_441 : i1 to i32
      %sign3A_443 = arith.subi %sign3A_439, %sign3A_442 : i32
      %ne3A_444 = arith.cmpi ne, %sign3A_436, %sign3A_443 : i32
      %rem3A_445 = arith.remsi %add3A_427, %jit3A_428 : i32
      %ne3A_446 = arith.constant 0 : i32
      %ne3A_447 = arith.cmpi ne, %rem3A_445, %ne3A_446 : i32
      %and3A_448 = arith.andi %ne3A_444, %ne3A_447 : i1
      %sub3A_449 = arith.constant 1 : i32
      %sub3A_450 = arith.subi %div3A_429, %sub3A_449 : i32
      %select_n3A_451 = arith.select %and3A_448, %sub3A_450, %div3A_429 : i32
      %jit3A_452 = arith.constant 128 : i32
      %eq3A_453 = arith.constant 0 : i32
      %eq3A_454 = arith.cmpi eq, %jit3A_452, %eq3A_453 : i32
      %jit3A_455 = arith.constant 1 : i32
      %select_n3A_456 = arith.select %eq3A_454, %jit3A_455, %jit3A_452 : i32
      %rem3A_457 = arith.remsi %add3A_427, %select_n3A_456 : i32
      %ne3A_458 = arith.constant 0 : i32
      %ne3A_459 = arith.cmpi ne, %rem3A_457, %ne3A_458 : i32
      %lt3A_460 = arith.constant 0 : i32
      %lt3A_461 = arith.cmpi slt, %rem3A_457, %lt3A_460 : i32
      %lt3A_462 = arith.constant 0 : i32
      %lt3A_463 = arith.cmpi slt, %select_n3A_456, %lt3A_462 : i32
      %ne3A_464 = arith.xori %lt3A_461, %lt3A_463 : i1
      %and3A_465 = arith.andi %ne3A_464, %ne3A_459 : i1
      %add3A_466 = arith.addi %rem3A_457, %select_n3A_456 : i32
      %select_n3A_467 = arith.select %and3A_465, %add3A_466, %rem3A_457 : i32
      %mul3A_468 = arith.constant 32 : i32
      %mul3A_469 = arith.muli %select_n3A_467, %mul3A_468 : i32
      %dma_wait3A_470 = arith.constant 0 : i32
      %dma_wait3A_471 = arith.constant 0 : i32
      %dma_wait3A_472 = tpu.memref_slice %arg6[%select_n3A_426, %dma_wait3A_470, %dma_wait3A_471] : memref<6x32x512xf32, #tpu.memory_space<vmem>> -> memref<1x32x512xf32, #tpu.memory_space<vmem>>
      %dma_wait3A_473 = tpu.memref_squeeze %dma_wait3A_472 : memref<1x32x512xf32, #tpu.memory_space<vmem>> -> memref<32x512xf32, #tpu.memory_space<vmem>>
      %dma_wait3A_474 = arith.constant 0 : i32
      %dma_wait3A_475 = tpu.memref_slice %arg4[%select_n3A_451, %mul3A_469, %dma_wait3A_474] : memref<20x4096x512xf32, #tpu.memory_space<hbm>> -> memref<1x32x512xf32, #tpu.memory_space<hbm>>
      %dma_wait3A_476 = tpu.memref_squeeze %dma_wait3A_475 : memref<1x32x512xf32, #tpu.memory_space<hbm>> -> memref<32x512xf32, #tpu.memory_space<hbm>>
      %dma_wait3A_477 = arith.constant 0 : i32
      %dma_wait3A_478 = tpu.memref_slice %arg4[%select_n3A_451, %mul3A_469, %dma_wait3A_477] : memref<20x4096x512xf32, #tpu.memory_space<hbm>> -> memref<1x32x512xf32, #tpu.memory_space<hbm>>
      %dma_wait3A_479 = tpu.memref_squeeze %dma_wait3A_478 : memref<1x32x512xf32, #tpu.memory_space<hbm>> -> memref<32x512xf32, #tpu.memory_space<hbm>>
      %dma_wait3A_480 = arith.constant 0 : i32
      %dma_wait3A_481 = arith.constant 0 : i32
      %dma_wait3A_482 = tpu.memref_slice %arg6[%select_n3A_426, %dma_wait3A_480, %dma_wait3A_481] : memref<6x32x512xf32, #tpu.memory_space<vmem>> -> memref<1x32x512xf32, #tpu.memory_space<vmem>>
      %dma_wait3A_483 = tpu.memref_squeeze %dma_wait3A_482 : memref<1x32x512xf32, #tpu.memory_space<vmem>> -> memref<32x512xf32, #tpu.memory_space<vmem>>
      tpu.wait_dma2 semaphore(%arg8 : memref<!tpu.dma_semaphore, #tpu.memory_space<semaphore_mem>>) src(%dma_wait3A_483 : memref<32x512xf32, #tpu.memory_space<vmem>>) dst(%dma_wait3A_479 : memref<32x512xf32, #tpu.memory_space<hbm>>)
      %add3A_484 = arith.constant 4 : i32
      %add3A_485 = arith.addi %scan3A_322, %add3A_484 : i32
      %add3A_486 = arith.constant 4 : i32
      %add3A_487 = arith.addi %scan3A_322, %add3A_486 : i32
      %jit3A_488 = arith.constant 6 : i32
      %eq3A_489 = arith.constant 0 : i32
      %eq3A_490 = arith.cmpi eq, %jit3A_488, %eq3A_489 : i32
      %jit3A_491 = arith.constant 1 : i32
      %select_n3A_492 = arith.select %eq3A_490, %jit3A_491, %jit3A_488 : i32
      %rem3A_493 = arith.remsi %add3A_487, %select_n3A_492 : i32
      %ne3A_494 = arith.constant 0 : i32
      %ne3A_495 = arith.cmpi ne, %rem3A_493, %ne3A_494 : i32
      %lt3A_496 = arith.constant 0 : i32
      %lt3A_497 = arith.cmpi slt, %rem3A_493, %lt3A_496 : i32
      %lt3A_498 = arith.constant 0 : i32
      %lt3A_499 = arith.cmpi slt, %select_n3A_492, %lt3A_498 : i32
      %ne3A_500 = arith.xori %lt3A_497, %lt3A_499 : i1
      %and3A_501 = arith.andi %ne3A_500, %ne3A_495 : i1
      %add3A_502 = arith.addi %rem3A_493, %select_n3A_492 : i32
      %select_n3A_503 = arith.select %and3A_501, %add3A_502, %rem3A_493 : i32
      %mul3A_504 = arith.constant 32 : i32
      %mul3A_505 = arith.muli %add3A_485, %mul3A_504 : i32
      %dma_start3A_506 = arith.constant 0 : i32
      %dma_start3A_507 = arith.constant 0 : i32
      %dma_start3A_508 = tpu.memref_slice %arg6[%select_n3A_503, %dma_start3A_506, %dma_start3A_507] : memref<6x32x512xf32, #tpu.memory_space<vmem>> -> memref<1x32x512xf32, #tpu.memory_space<vmem>>
      %dma_start3A_509 = tpu.memref_squeeze %dma_start3A_508 : memref<1x32x512xf32, #tpu.memory_space<vmem>> -> memref<32x512xf32, #tpu.memory_space<vmem>>
      %dma_start3A_510 = tpu.memref_slice %arg5[%mul3A_505] : memref<2560xi32, #tpu.memory_space<vmem>> -> memref<32xi32, #tpu.memory_space<vmem>>
      %dma_start3A_511 = arith.constant 0 : i32
      %dma_start3A_512 = arith.constant 0 : i32
      %dma_start3A_513 = tpu.memref_slice %arg2[%dma_start3A_511, %dma_start3A_512] : memref<1000x512xf32, #tpu.memory_space<hbm>> -> memref<1000x512xf32, #tpu.memory_space<hbm>>
      tpu.enqueue_indirect_dma source(%dma_start3A_513 : memref<1000x512xf32, #tpu.memory_space<hbm>>) target(%dma_start3A_509 : memref<32x512xf32, #tpu.memory_space<vmem>>) offsets(%dma_start3A_510 : memref<32xi32, #tpu.memory_space<vmem>>) semaphore(%arg7 : memref<!tpu.dma_semaphore, #tpu.memory_space<semaphore_mem>>)
      %scan3A_514 = arith.constant 0 : i32
      scf.yield %scan3A_514 : i32
    }
    %scan3A_196 = arith.constant 74 : i32
    %scan3A_197 = arith.constant 0 : i32
    %scan3A_198 = arith.constant 76 : i32
    %scan3A_199 = arith.constant 4 : i32
    %scan3A_200 = arith.addi %scan3A_198, %scan3A_199 : i32
    %scan3A_201 = arith.constant 1 : i32
    %scan3A_202 = scf.for %scan3A_322 = %scan3A_198 to %scan3A_200 step %scan3A_201 iter_args(%scan3A_323 = %scan3A_197) -> (i32)  : i32 {
      %jit3A_324 = arith.constant 6 : i32
      %eq3A_325 = arith.constant 0 : i32
      %eq3A_326 = arith.cmpi eq, %jit3A_324, %eq3A_325 : i32
      %jit3A_327 = arith.constant 1 : i32
      %select_n3A_328 = arith.select %eq3A_326, %jit3A_327, %jit3A_324 : i32
      %rem3A_329 = arith.remsi %scan3A_322, %select_n3A_328 : i32
      %ne3A_330 = arith.constant 0 : i32
      %ne3A_331 = arith.cmpi ne, %rem3A_329, %ne3A_330 : i32
      %lt3A_332 = arith.constant 0 : i32
      %lt3A_333 = arith.cmpi slt, %rem3A_329, %lt3A_332 : i32
      %lt3A_334 = arith.constant 0 : i32
      %lt3A_335 = arith.cmpi slt, %select_n3A_328, %lt3A_334 : i32
      %ne3A_336 = arith.xori %lt3A_333, %lt3A_335 : i1
      %and3A_337 = arith.andi %ne3A_336, %ne3A_331 : i1
      %add3A_338 = arith.addi %rem3A_329, %select_n3A_328 : i32
      %select_n3A_339 = arith.select %and3A_337, %add3A_338, %rem3A_329 : i32
      %mul3A_340 = arith.constant 32 : i32
      %mul3A_341 = arith.muli %scan3A_322, %mul3A_340 : i32
      %dma_wait3A_342 = arith.constant 0 : i32
      %dma_wait3A_343 = arith.constant 0 : i32
      %dma_wait3A_344 = tpu.memref_slice %arg6[%select_n3A_339, %dma_wait3A_342, %dma_wait3A_343] : memref<6x32x512xf32, #tpu.memory_space<vmem>> -> memref<1x32x512xf32, #tpu.memory_space<vmem>>
      %dma_wait3A_345 = tpu.memref_squeeze %dma_wait3A_344 : memref<1x32x512xf32, #tpu.memory_space<vmem>> -> memref<32x512xf32, #tpu.memory_space<vmem>>
      %dma_wait3A_346 = tpu.memref_slice %arg5[%mul3A_341] : memref<2560xi32, #tpu.memory_space<vmem>> -> memref<32xi32, #tpu.memory_space<vmem>>
      %dma_wait3A_347 = arith.constant 0 : i32
      %dma_wait3A_348 = arith.constant 0 : i32
      %dma_wait3A_349 = tpu.memref_slice %arg2[%dma_wait3A_347, %dma_wait3A_348] : memref<1000x512xf32, #tpu.memory_space<hbm>> -> memref<1000x512xf32, #tpu.memory_space<hbm>>
      tpu.wait_indirect_dma semaphore(%arg7 : memref<!tpu.dma_semaphore, #tpu.memory_space<semaphore_mem>>) src(%dma_wait3A_349 : memref<1000x512xf32, #tpu.memory_space<hbm>>) dst(%dma_wait3A_345 : memref<32x512xf32, #tpu.memory_space<vmem>>)
      %jit3A_350 = arith.constant 6 : i32
      %eq3A_351 = arith.constant 0 : i32
      %eq3A_352 = arith.cmpi eq, %jit3A_350, %eq3A_351 : i32
      %jit3A_353 = arith.constant 1 : i32
      %select_n3A_354 = arith.select %eq3A_352, %jit3A_353, %jit3A_350 : i32
      %rem3A_355 = arith.remsi %scan3A_322, %select_n3A_354 : i32
      %ne3A_356 = arith.constant 0 : i32
      %ne3A_357 = arith.cmpi ne, %rem3A_355, %ne3A_356 : i32
      %lt3A_358 = arith.constant 0 : i32
      %lt3A_359 = arith.cmpi slt, %rem3A_355, %lt3A_358 : i32
      %lt3A_360 = arith.constant 0 : i32
      %lt3A_361 = arith.cmpi slt, %select_n3A_354, %lt3A_360 : i32
      %ne3A_362 = arith.xori %lt3A_359, %lt3A_361 : i1
      %and3A_363 = arith.andi %ne3A_362, %ne3A_357 : i1
      %add3A_364 = arith.addi %rem3A_355, %select_n3A_354 : i32
      %select_n3A_365 = arith.select %and3A_363, %add3A_364, %rem3A_355 : i32
      %add3A_366 = arith.addi %mul3A_4, %scan3A_322 : i32
      %jit3A_367 = arith.constant 128 : i32
      %div3A_368 = arith.divsi %add3A_366, %jit3A_367 : i32
      %sign3A_369 = arith.constant 0 : i32
      %sign3A_370 = arith.cmpi sgt, %add3A_366, %sign3A_369 : i32
      %sign3A_371 = arith.extui %sign3A_370 : i1 to i32
      %sign3A_372 = arith.constant 0 : i32
      %sign3A_373 = arith.cmpi slt, %add3A_366, %sign3A_372 : i32
      %sign3A_374 = arith.extui %sign3A_373 : i1 to i32
      %sign3A_375 = arith.subi %sign3A_371, %sign3A_374 : i32
      %sign3A_376 = arith.constant 0 : i32
      %sign3A_377 = arith.cmpi sgt, %jit3A_367, %sign3A_376 : i32
      %sign3A_378 = arith.extui %sign3A_377 : i1 to i32
      %sign3A_379 = arith.constant 0 : i32
      %sign3A_380 = arith.cmpi slt, %jit3A_367, %sign3A_379 : i32
      %sign3A_381 = arith.extui %sign3A_380 : i1 to i32
      %sign3A_382 = arith.subi %sign3A_378, %sign3A_381 : i32
      %ne3A_383 = arith.cmpi ne, %sign3A_375, %sign3A_382 : i32
      %rem3A_384 = arith.remsi %add3A_366, %jit3A_367 : i32
      %ne3A_385 = arith.constant 0 : i32
      %ne3A_386 = arith.cmpi ne, %rem3A_384, %ne3A_385 : i32
      %and3A_387 = arith.andi %ne3A_383, %ne3A_386 : i1
      %sub3A_388 = arith.constant 1 : i32
      %sub3A_389 = arith.subi %div3A_368, %sub3A_388 : i32
      %select_n3A_390 = arith.select %and3A_387, %sub3A_389, %div3A_368 : i32
      %jit3A_391 = arith.constant 128 : i32
      %eq3A_392 = arith.constant 0 : i32
      %eq3A_393 = arith.cmpi eq, %jit3A_391, %eq3A_392 : i32
      %jit3A_394 = arith.constant 1 : i32
      %select_n3A_395 = arith.select %eq3A_393, %jit3A_394, %jit3A_391 : i32
      %rem3A_396 = arith.remsi %add3A_366, %select_n3A_395 : i32
      %ne3A_397 = arith.constant 0 : i32
      %ne3A_398 = arith.cmpi ne, %rem3A_396, %ne3A_397 : i32
      %lt3A_399 = arith.constant 0 : i32
      %lt3A_400 = arith.cmpi slt, %rem3A_396, %lt3A_399 : i32
      %lt3A_401 = arith.constant 0 : i32
      %lt3A_402 = arith.cmpi slt, %select_n3A_395, %lt3A_401 : i32
      %ne3A_403 = arith.xori %lt3A_400, %lt3A_402 : i1
      %and3A_404 = arith.andi %ne3A_403, %ne3A_398 : i1
      %add3A_405 = arith.addi %rem3A_396, %select_n3A_395 : i32
      %select_n3A_406 = arith.select %and3A_404, %add3A_405, %rem3A_396 : i32
      %mul3A_407 = arith.constant 32 : i32
      %mul3A_408 = arith.muli %select_n3A_406, %mul3A_407 : i32
      %dma_start3A_409 = arith.constant 0 : i32
      %dma_start3A_410 = arith.constant 0 : i32
      %dma_start3A_411 = tpu.memref_slice %arg6[%select_n3A_365, %dma_start3A_409, %dma_start3A_410] : memref<6x32x512xf32, #tpu.memory_space<vmem>> -> memref<1x32x512xf32, #tpu.memory_space<vmem>>
      %dma_start3A_412 = tpu.memref_squeeze %dma_start3A_411 : memref<1x32x512xf32, #tpu.memory_space<vmem>> -> memref<32x512xf32, #tpu.memory_space<vmem>>
      %dma_start3A_413 = arith.constant 0 : i32
      %dma_start3A_414 = tpu.memref_slice %arg4[%select_n3A_390, %mul3A_408, %dma_start3A_413] : memref<20x4096x512xf32, #tpu.memory_space<hbm>> -> memref<1x32x512xf32, #tpu.memory_space<hbm>>
      %dma_start3A_415 = tpu.memref_squeeze %dma_start3A_414 : memref<1x32x512xf32, #tpu.memory_space<hbm>> -> memref<32x512xf32, #tpu.memory_space<hbm>>
      %dma_start3A_416 = arith.constant 0 : i32
      %dma_start3A_417 = tpu.memref_slice %arg4[%select_n3A_390, %mul3A_408, %dma_start3A_416] : memref<20x4096x512xf32, #tpu.memory_space<hbm>> -> memref<1x32x512xf32, #tpu.memory_space<hbm>>
      %dma_start3A_418 = tpu.memref_squeeze %dma_start3A_417 : memref<1x32x512xf32, #tpu.memory_space<hbm>> -> memref<32x512xf32, #tpu.memory_space<hbm>>
      %dma_start3A_419 = arith.constant 0 : i32
      %dma_start3A_420 = arith.constant 0 : i32
      %dma_start3A_421 = tpu.memref_slice %arg6[%select_n3A_365, %dma_start3A_419, %dma_start3A_420] : memref<6x32x512xf32, #tpu.memory_space<vmem>> -> memref<1x32x512xf32, #tpu.memory_space<vmem>>
      %dma_start3A_422 = tpu.memref_squeeze %dma_start3A_421 : memref<1x32x512xf32, #tpu.memory_space<vmem>> -> memref<32x512xf32, #tpu.memory_space<vmem>>
      tpu.enqueue_dma source(%dma_start3A_422 : memref<32x512xf32, #tpu.memory_space<vmem>>) target(%dma_start3A_418 : memref<32x512xf32, #tpu.memory_space<hbm>>) target_semaphore(%arg8 : memref<!tpu.dma_semaphore, #tpu.memory_space<semaphore_mem>>)
      %sub3A_423 = arith.constant 2 : i32
      %sub3A_424 = arith.subi %scan3A_322, %sub3A_423 : i32
      %sub3A_425 = arith.constant 2 : i32
      %sub3A_426 = arith.subi %scan3A_322, %sub3A_425 : i32
      %jit3A_427 = arith.constant 6 : i32
      %eq3A_428 = arith.constant 0 : i32
      %eq3A_429 = arith.cmpi eq, %jit3A_427, %eq3A_428 : i32
      %jit3A_430 = arith.constant 1 : i32
      %select_n3A_431 = arith.select %eq3A_429, %jit3A_430, %jit3A_427 : i32
      %rem3A_432 = arith.remsi %sub3A_426, %select_n3A_431 : i32
      %ne3A_433 = arith.constant 0 : i32
      %ne3A_434 = arith.cmpi ne, %rem3A_432, %ne3A_433 : i32
      %lt3A_435 = arith.constant 0 : i32
      %lt3A_436 = arith.cmpi slt, %rem3A_432, %lt3A_435 : i32
      %lt3A_437 = arith.constant 0 : i32
      %lt3A_438 = arith.cmpi slt, %select_n3A_431, %lt3A_437 : i32
      %ne3A_439 = arith.xori %lt3A_436, %lt3A_438 : i1
      %and3A_440 = arith.andi %ne3A_439, %ne3A_434 : i1
      %add3A_441 = arith.addi %rem3A_432, %select_n3A_431 : i32
      %select_n3A_442 = arith.select %and3A_440, %add3A_441, %rem3A_432 : i32
      %add3A_443 = arith.addi %mul3A_4, %sub3A_424 : i32
      %jit3A_444 = arith.constant 128 : i32
      %div3A_445 = arith.divsi %add3A_443, %jit3A_444 : i32
      %sign3A_446 = arith.constant 0 : i32
      %sign3A_447 = arith.cmpi sgt, %add3A_443, %sign3A_446 : i32
      %sign3A_448 = arith.extui %sign3A_447 : i1 to i32
      %sign3A_449 = arith.constant 0 : i32
      %sign3A_450 = arith.cmpi slt, %add3A_443, %sign3A_449 : i32
      %sign3A_451 = arith.extui %sign3A_450 : i1 to i32
      %sign3A_452 = arith.subi %sign3A_448, %sign3A_451 : i32
      %sign3A_453 = arith.constant 0 : i32
      %sign3A_454 = arith.cmpi sgt, %jit3A_444, %sign3A_453 : i32
      %sign3A_455 = arith.extui %sign3A_454 : i1 to i32
      %sign3A_456 = arith.constant 0 : i32
      %sign3A_457 = arith.cmpi slt, %jit3A_444, %sign3A_456 : i32
      %sign3A_458 = arith.extui %sign3A_457 : i1 to i32
      %sign3A_459 = arith.subi %sign3A_455, %sign3A_458 : i32
      %ne3A_460 = arith.cmpi ne, %sign3A_452, %sign3A_459 : i32
      %rem3A_461 = arith.remsi %add3A_443, %jit3A_444 : i32
      %ne3A_462 = arith.constant 0 : i32
      %ne3A_463 = arith.cmpi ne, %rem3A_461, %ne3A_462 : i32
      %and3A_464 = arith.andi %ne3A_460, %ne3A_463 : i1
      %sub3A_465 = arith.constant 1 : i32
      %sub3A_466 = arith.subi %div3A_445, %sub3A_465 : i32
      %select_n3A_467 = arith.select %and3A_464, %sub3A_466, %div3A_445 : i32
      %jit3A_468 = arith.constant 128 : i32
      %eq3A_469 = arith.constant 0 : i32
      %eq3A_470 = arith.cmpi eq, %jit3A_468, %eq3A_469 : i32
      %jit3A_471 = arith.constant 1 : i32
      %select_n3A_472 = arith.select %eq3A_470, %jit3A_471, %jit3A_468 : i32
      %rem3A_473 = arith.remsi %add3A_443, %select_n3A_472 : i32
      %ne3A_474 = arith.constant 0 : i32
      %ne3A_475 = arith.cmpi ne, %rem3A_473, %ne3A_474 : i32
      %lt3A_476 = arith.constant 0 : i32
      %lt3A_477 = arith.cmpi slt, %rem3A_473, %lt3A_476 : i32
      %lt3A_478 = arith.constant 0 : i32
      %lt3A_479 = arith.cmpi slt, %select_n3A_472, %lt3A_478 : i32
      %ne3A_480 = arith.xori %lt3A_477, %lt3A_479 : i1
      %and3A_481 = arith.andi %ne3A_480, %ne3A_475 : i1
      %add3A_482 = arith.addi %rem3A_473, %select_n3A_472 : i32
      %select_n3A_483 = arith.select %and3A_481, %add3A_482, %rem3A_473 : i32
      %mul3A_484 = arith.constant 32 : i32
      %mul3A_485 = arith.muli %select_n3A_483, %mul3A_484 : i32
      %dma_wait3A_486 = arith.constant 0 : i32
      %dma_wait3A_487 = arith.constant 0 : i32
      %dma_wait3A_488 = tpu.memref_slice %arg6[%select_n3A_442, %dma_wait3A_486, %dma_wait3A_487] : memref<6x32x512xf32, #tpu.memory_space<vmem>> -> memref<1x32x512xf32, #tpu.memory_space<vmem>>
      %dma_wait3A_489 = tpu.memref_squeeze %dma_wait3A_488 : memref<1x32x512xf32, #tpu.memory_space<vmem>> -> memref<32x512xf32, #tpu.memory_space<vmem>>
      %dma_wait3A_490 = arith.constant 0 : i32
      %dma_wait3A_491 = tpu.memref_slice %arg4[%select_n3A_467, %mul3A_485, %dma_wait3A_490] : memref<20x4096x512xf32, #tpu.memory_space<hbm>> -> memref<1x32x512xf32, #tpu.memory_space<hbm>>
      %dma_wait3A_492 = tpu.memref_squeeze %dma_wait3A_491 : memref<1x32x512xf32, #tpu.memory_space<hbm>> -> memref<32x512xf32, #tpu.memory_space<hbm>>
      %dma_wait3A_493 = arith.constant 0 : i32
      %dma_wait3A_494 = tpu.memref_slice %arg4[%select_n3A_467, %mul3A_485, %dma_wait3A_493] : memref<20x4096x512xf32, #tpu.memory_space<hbm>> -> memref<1x32x512xf32, #tpu.memory_space<hbm>>
      %dma_wait3A_495 = tpu.memref_squeeze %dma_wait3A_494 : memref<1x32x512xf32, #tpu.memory_space<hbm>> -> memref<32x512xf32, #tpu.memory_space<hbm>>
      %dma_wait3A_496 = arith.constant 0 : i32
      %dma_wait3A_497 = arith.constant 0 : i32
      %dma_wait3A_498 = tpu.memref_slice %arg6[%select_n3A_442, %dma_wait3A_496, %dma_wait3A_497] : memref<6x32x512xf32, #tpu.memory_space<vmem>> -> memref<1x32x512xf32, #tpu.memory_space<vmem>>
      %dma_wait3A_499 = tpu.memref_squeeze %dma_wait3A_498 : memref<1x32x512xf32, #tpu.memory_space<vmem>> -> memref<32x512xf32, #tpu.memory_space<vmem>>
      tpu.wait_dma2 semaphore(%arg8 : memref<!tpu.dma_semaphore, #tpu.memory_space<semaphore_mem>>) src(%dma_wait3A_499 : memref<32x512xf32, #tpu.memory_space<vmem>>) dst(%dma_wait3A_495 : memref<32x512xf32, #tpu.memory_space<hbm>>)
      %scan3A_500 = arith.constant 0 : i32
      scf.yield %scan3A_500 : i32
    }
    %scan3A_203 = arith.constant 4 : i32
    %add3A_204 = arith.constant 78 : i32
    %add3A_205 = arith.addi %mul3A_4, %add3A_204 : i32
    %jit3A_206 = arith.constant 128 : i32
    %div3A_207 = arith.divsi %add3A_205, %jit3A_206 : i32
    %sign3A_208 = arith.constant 0 : i32
    %sign3A_209 = arith.cmpi sgt, %add3A_205, %sign3A_208 : i32
    %sign3A_210 = arith.extui %sign3A_209 : i1 to i32
    %sign3A_211 = arith.constant 0 : i32
    %sign3A_212 = arith.cmpi slt, %add3A_205, %sign3A_211 : i32
    %sign3A_213 = arith.extui %sign3A_212 : i1 to i32
    %sign3A_214 = arith.subi %sign3A_210, %sign3A_213 : i32
    %sign3A_215 = arith.constant 0 : i32
    %sign3A_216 = arith.cmpi sgt, %jit3A_206, %sign3A_215 : i32
    %sign3A_217 = arith.extui %sign3A_216 : i1 to i32
    %sign3A_218 = arith.constant 0 : i32
    %sign3A_219 = arith.cmpi slt, %jit3A_206, %sign3A_218 : i32
    %sign3A_220 = arith.extui %sign3A_219 : i1 to i32
    %sign3A_221 = arith.subi %sign3A_217, %sign3A_220 : i32
    %ne3A_222 = arith.cmpi ne, %sign3A_214, %sign3A_221 : i32
    %rem3A_223 = arith.remsi %add3A_205, %jit3A_206 : i32
    %ne3A_224 = arith.constant 0 : i32
    %ne3A_225 = arith.cmpi ne, %rem3A_223, %ne3A_224 : i32
    %and3A_226 = arith.andi %ne3A_222, %ne3A_225 : i1
    %sub3A_227 = arith.constant 1 : i32
    %sub3A_228 = arith.subi %div3A_207, %sub3A_227 : i32
    %select_n3A_229 = arith.select %and3A_226, %sub3A_228, %div3A_207 : i32
    %jit3A_230 = arith.constant 128 : i32
    %eq3A_231 = arith.constant 0 : i32
    %eq3A_232 = arith.cmpi eq, %jit3A_230, %eq3A_231 : i32
    %jit3A_233 = arith.constant 1 : i32
    %select_n3A_234 = arith.select %eq3A_232, %jit3A_233, %jit3A_230 : i32
    %rem3A_235 = arith.remsi %add3A_205, %select_n3A_234 : i32
    %ne3A_236 = arith.constant 0 : i32
    %ne3A_237 = arith.cmpi ne, %rem3A_235, %ne3A_236 : i32
    %lt3A_238 = arith.constant 0 : i32
    %lt3A_239 = arith.cmpi slt, %rem3A_235, %lt3A_238 : i32
    %lt3A_240 = arith.constant 0 : i32
    %lt3A_241 = arith.cmpi slt, %select_n3A_234, %lt3A_240 : i32
    %ne3A_242 = arith.xori %lt3A_239, %lt3A_241 : i1
    %and3A_243 = arith.andi %ne3A_242, %ne3A_237 : i1
    %add3A_244 = arith.addi %rem3A_235, %select_n3A_234 : i32
    %select_n3A_245 = arith.select %and3A_243, %add3A_244, %rem3A_235 : i32
    %mul3A_246 = arith.constant 32 : i32
    %mul3A_247 = arith.muli %select_n3A_245, %mul3A_246 : i32
    %dma_wait3A_248 = arith.constant 0 : i32
    %dma_wait3A_249 = arith.constant 0 : i32
    %dma_wait3A_250 = arith.constant 0 : i32
    %dma_wait3A_251 = tpu.memref_slice %arg6[%dma_wait3A_248, %dma_wait3A_249, %dma_wait3A_250] : memref<6x32x512xf32, #tpu.memory_space<vmem>> -> memref<1x32x512xf32, #tpu.memory_space<vmem>>
    %dma_wait3A_252 = tpu.memref_squeeze %dma_wait3A_251 : memref<1x32x512xf32, #tpu.memory_space<vmem>> -> memref<32x512xf32, #tpu.memory_space<vmem>>
    %dma_wait3A_253 = arith.constant 0 : i32
    %dma_wait3A_254 = tpu.memref_slice %arg4[%select_n3A_229, %mul3A_247, %dma_wait3A_253] : memref<20x4096x512xf32, #tpu.memory_space<hbm>> -> memref<1x32x512xf32, #tpu.memory_space<hbm>>
    %dma_wait3A_255 = tpu.memref_squeeze %dma_wait3A_254 : memref<1x32x512xf32, #tpu.memory_space<hbm>> -> memref<32x512xf32, #tpu.memory_space<hbm>>
    %dma_wait3A_256 = arith.constant 0 : i32
    %dma_wait3A_257 = tpu.memref_slice %arg4[%select_n3A_229, %mul3A_247, %dma_wait3A_256] : memref<20x4096x512xf32, #tpu.memory_space<hbm>> -> memref<1x32x512xf32, #tpu.memory_space<hbm>>
    %dma_wait3A_258 = tpu.memref_squeeze %dma_wait3A_257 : memref<1x32x512xf32, #tpu.memory_space<hbm>> -> memref<32x512xf32, #tpu.memory_space<hbm>>
    %dma_wait3A_259 = arith.constant 0 : i32
    %dma_wait3A_260 = arith.constant 0 : i32
    %dma_wait3A_261 = tpu.memref_slice %arg6[%dma_wait3A_248, %dma_wait3A_259, %dma_wait3A_260] : memref<6x32x512xf32, #tpu.memory_space<vmem>> -> memref<1x32x512xf32, #tpu.memory_space<vmem>>
    %dma_wait3A_262 = tpu.memref_squeeze %dma_wait3A_261 : memref<1x32x512xf32, #tpu.memory_space<vmem>> -> memref<32x512xf32, #tpu.memory_space<vmem>>
    tpu.wait_dma2 semaphore(%arg8 : memref<!tpu.dma_semaphore, #tpu.memory_space<semaphore_mem>>) src(%dma_wait3A_262 : memref<32x512xf32, #tpu.memory_space<vmem>>) dst(%dma_wait3A_258 : memref<32x512xf32, #tpu.memory_space<hbm>>)
    %add3A_263 = arith.constant 79 : i32
    %add3A_264 = arith.addi %mul3A_4, %add3A_263 : i32
    %jit3A_265 = arith.constant 128 : i32
    %div3A_266 = arith.divsi %add3A_264, %jit3A_265 : i32
    %sign3A_267 = arith.constant 0 : i32
    %sign3A_268 = arith.cmpi sgt, %add3A_264, %sign3A_267 : i32
    %sign3A_269 = arith.extui %sign3A_268 : i1 to i32
    %sign3A_270 = arith.constant 0 : i32
    %sign3A_271 = arith.cmpi slt, %add3A_264, %sign3A_270 : i32
    %sign3A_272 = arith.extui %sign3A_271 : i1 to i32
    %sign3A_273 = arith.subi %sign3A_269, %sign3A_272 : i32
    %sign3A_274 = arith.constant 0 : i32
    %sign3A_275 = arith.cmpi sgt, %jit3A_265, %sign3A_274 : i32
    %sign3A_276 = arith.extui %sign3A_275 : i1 to i32
    %sign3A_277 = arith.constant 0 : i32
    %sign3A_278 = arith.cmpi slt, %jit3A_265, %sign3A_277 : i32
    %sign3A_279 = arith.extui %sign3A_278 : i1 to i32
    %sign3A_280 = arith.subi %sign3A_276, %sign3A_279 : i32
    %ne3A_281 = arith.cmpi ne, %sign3A_273, %sign3A_280 : i32
    %rem3A_282 = arith.remsi %add3A_264, %jit3A_265 : i32
    %ne3A_283 = arith.constant 0 : i32
    %ne3A_284 = arith.cmpi ne, %rem3A_282, %ne3A_283 : i32
    %and3A_285 = arith.andi %ne3A_281, %ne3A_284 : i1
    %sub3A_286 = arith.constant 1 : i32
    %sub3A_287 = arith.subi %div3A_266, %sub3A_286 : i32
    %select_n3A_288 = arith.select %and3A_285, %sub3A_287, %div3A_266 : i32
    %jit3A_289 = arith.constant 128 : i32
    %eq3A_290 = arith.constant 0 : i32
    %eq3A_291 = arith.cmpi eq, %jit3A_289, %eq3A_290 : i32
    %jit3A_292 = arith.constant 1 : i32
    %select_n3A_293 = arith.select %eq3A_291, %jit3A_292, %jit3A_289 : i32
    %rem3A_294 = arith.remsi %add3A_264, %select_n3A_293 : i32
    %ne3A_295 = arith.constant 0 : i32
    %ne3A_296 = arith.cmpi ne, %rem3A_294, %ne3A_295 : i32
    %lt3A_297 = arith.constant 0 : i32
    %lt3A_298 = arith.cmpi slt, %rem3A_294, %lt3A_297 : i32
    %lt3A_299 = arith.constant 0 : i32
    %lt3A_300 = arith.cmpi slt, %select_n3A_293, %lt3A_299 : i32
    %ne3A_301 = arith.xori %lt3A_298, %lt3A_300 : i1
    %and3A_302 = arith.andi %ne3A_301, %ne3A_296 : i1
    %add3A_303 = arith.addi %rem3A_294, %select_n3A_293 : i32
    %select_n3A_304 = arith.select %and3A_302, %add3A_303, %rem3A_294 : i32
    %mul3A_305 = arith.constant 32 : i32
    %mul3A_306 = arith.muli %select_n3A_304, %mul3A_305 : i32
    %dma_wait3A_307 = arith.constant 1 : i32
    %dma_wait3A_308 = arith.constant 0 : i32
    %dma_wait3A_309 = arith.constant 0 : i32
    %dma_wait3A_310 = tpu.memref_slice %arg6[%dma_wait3A_307, %dma_wait3A_308, %dma_wait3A_309] : memref<6x32x512xf32, #tpu.memory_space<vmem>> -> memref<1x32x512xf32, #tpu.memory_space<vmem>>
    %dma_wait3A_311 = tpu.memref_squeeze %dma_wait3A_310 : memref<1x32x512xf32, #tpu.memory_space<vmem>> -> memref<32x512xf32, #tpu.memory_space<vmem>>
    %dma_wait3A_312 = arith.constant 0 : i32
    %dma_wait3A_313 = tpu.memref_slice %arg4[%select_n3A_288, %mul3A_306, %dma_wait3A_312] : memref<20x4096x512xf32, #tpu.memory_space<hbm>> -> memref<1x32x512xf32, #tpu.memory_space<hbm>>
    %dma_wait3A_314 = tpu.memref_squeeze %dma_wait3A_313 : memref<1x32x512xf32, #tpu.memory_space<hbm>> -> memref<32x512xf32, #tpu.memory_space<hbm>>
    %dma_wait3A_315 = arith.constant 0 : i32
    %dma_wait3A_316 = tpu.memref_slice %arg4[%select_n3A_288, %mul3A_306, %dma_wait3A_315] : memref<20x4096x512xf32, #tpu.memory_space<hbm>> -> memref<1x32x512xf32, #tpu.memory_space<hbm>>
    %dma_wait3A_317 = tpu.memref_squeeze %dma_wait3A_316 : memref<1x32x512xf32, #tpu.memory_space<hbm>> -> memref<32x512xf32, #tpu.memory_space<hbm>>
    %dma_wait3A_318 = arith.constant 0 : i32
    %dma_wait3A_319 = arith.constant 0 : i32
    %dma_wait3A_320 = tpu.memref_slice %arg6[%dma_wait3A_307, %dma_wait3A_318, %dma_wait3A_319] : memref<6x32x512xf32, #tpu.memory_space<vmem>> -> memref<1x32x512xf32, #tpu.memory_space<vmem>>
    %dma_wait3A_321 = tpu.memref_squeeze %dma_wait3A_320 : memref<1x32x512xf32, #tpu.memory_space<vmem>> -> memref<32x512xf32, #tpu.memory_space<vmem>>
    tpu.wait_dma2 semaphore(%arg8 : memref<!tpu.dma_semaphore, #tpu.memory_space<semaphore_mem>>) src(%dma_wait3A_321 : memref<32x512xf32, #tpu.memory_space<vmem>>) dst(%dma_wait3A_317 : memref<32x512xf32, #tpu.memory_space<hbm>>)
    return
  }
}

module attributes {stable_mosaic.version = 14 : i64} {
  func.func @_project_body(%arg0: memref<1000x512xf32, #tpu.memory_space<vmem>>, %arg1: memref<512x512xf32, #tpu.memory_space<vmem>>, %arg2: memref<1x512xf32, #tpu.memory_space<vmem>>, %arg3: memref<1000x512xf32, #tpu.memory_space<vmem>>) attributes {dimension_semantics = [], scalar_prefetch = 0 : i64, scratch_operands = 0 : i64, tpu.core_type = #tpu.core_type<tc>} {
    %get3A = arith.constant 0 : index
    %get3A_0 = arith.constant 0 : index
    %get3A_1 = vector.load %arg0[%get3A, %get3A_0] : memref<1000x512xf32, #tpu.memory_space<vmem>>, vector<1000x512xf32>
    %get3A_2 = arith.constant 0 : index
    %get3A_3 = arith.constant 0 : index
    %get3A_4 = vector.load %arg1[%get3A_2, %get3A_3] : memref<512x512xf32, #tpu.memory_space<vmem>>, vector<512x512xf32>
    %dot_general3A = arith.constant dense<0.000000e+00> : vector<1000x512xf32>
    %dot_general3A_5 = tpu.matmul %get3A_1, %get3A_4, %dot_general3A {dimension_numbers = #tpu.dot_dimension_numbers<[1], [1], [0], [0], [0, 0, 1, 0], [], []>, transpose_lhs_hint = false} : vector<1000x512xf32>, vector<512x512xf32>, vector<1000x512xf32> -> vector<1000x512xf32>
    %get3A_6 = arith.constant 0 : index
    %get3A_7 = arith.constant 0 : index
    %get3A_8 = vector.load %arg2[%get3A_6, %get3A_7] : memref<1x512xf32, #tpu.memory_space<vmem>>, vector<1x512xf32>
    %add3A = vector.broadcast %get3A_8 : vector<1x512xf32> to vector<1000x512xf32>
    %add3A_9 = arith.addf %dot_general3A_5, %add3A : vector<1000x512xf32>
    %swap3A = arith.constant 0 : index
    %swap3A_10 = arith.constant 0 : index
    %swap3A_11 = vector.load %arg3[%swap3A, %swap3A_10] : memref<1000x512xf32, #tpu.memory_space<vmem>>, vector<1000x512xf32>
    tpu.vector_store %arg3[%swap3A, %swap3A_10], %add3A_9 {strides = array<i32>} : memref<1000x512xf32, #tpu.memory_space<vmem>>, vector<1000x512xf32>,
    return
  }
}

</mosaic_0001>

<sc_bundles>
// kernel: kernel.4.cloned.1.call-start
scs
__scs_entry_jumppad:
0x0: {  	(pc) =	sbr.rel $0x88, $3  }
0x1: {  	(tag) =	ssettag $0x0;
	lr =	simm.s32 $0x1  }
0x2: {  	[smem:$0x3F9D] =	sst lr;
	_ =	strace $0xD0000000  }
0x3: {  	_ = 	snop  }
0x4: {  	_ = 	snop  }
0x5: {  	_ = 	snop  }
0x6: {  	_ = 	snop  }
0x7: {  	_ = 	snop  }
__scs_overlays_trampoline_lowered:
0x8: {  	[smem:$0x3FAC] =	sst s0  }
0x9: {  	[smem:$0x3FAD] =	sst s1  }
0xa: {  	[smem:$0x3FAE] =	sst s2  }
0xb: {  	[smem:$0x3FAF] =	sst s3  }
0xc: {  	[smem:$0x3FB0] =	sst s4  }
0xd: {  	[smem:$0x3FB1] =	sst s5  }
0xe: {  	[smem:$0x3FB2] =	sst s6  }
0xf: {  	[smem:$0x3FB3] =	sst s7  }
0x10: {  	[smem:$0x3FB4] =	sst s8  }
0x11: {  	[smem:$0x3FB5] =	sst s9;
	s0 =	simm.s32 @!p0 $0x0  }
0x12: {  	s1 =	sld [smem:$0x3F9B];
	s0 =	simm.s32 @p0 $0x1  }
0x13: {  	[smem:$0x3FB6] =	sst s0;
	s0 =	simm.s32 @!p1 $0x0  }
0x14: {  	s2 =	sld [smem:$0x3F9A];
	s0 =	simm.s32 @p1 $0x1  }
0x15: {  	[smem:$0x3FB7] =	sst s0;
	s0 =	simm.s32 @!p2 $0x0  }
0x16: {  	s3 =	sld [smem:$0x3FDB];
	s0 =	simm.s32 @p2 $0x1  }
0x17: {  	s4 =	simm.s32 $0x1BF5;
	[smem:$0x3FB9] =	sst s0  }
0x18: {  	s0 =	sld [smem:$0x3F9C];
	_ =	swait.ge [sflag:s4], $0x0  }
0x19: {  	s7 =	sld [smem:$0x3F9D]  }
0x1a: {  	s8 =	sadd.s32 $0xFFFFE003, lr  }
0x1b: {  	s9 =	sadd.s32 $0xFFFFFEF7, lr;
	s5 =	simm.s32 $0xFFFFFFFF;
	p2 =	slt.u32 s8, $0xFFFFF086  }
0x1c: {  	p1 =	slt.u32 s9, $0xF7A;
	s5 =	simm.s32 @!p2 $0x0  }
0x1d: {  	s5 =	simm.s32 @p1 $0x1;
	p0 =	seq.s32 s7, s2  }
0x1e: {  	s7 =	smul.u32 @!p0 $0xF7A, s2;
	p2 =	seq.s32 @!p0 s5, $0x0  }
0x1f: {  	s9 =	smul.u32 $0xF7A, s1;
	s8 =	simm.s32 @!p0 $0x1BF5;
	p2 =	por !p2, p0  }
0x20: {  	[sflag:s8] =	ssyncset.s32 @!p0 $0xFFFFF086;
	s6 =	sadd.s32 @!p0 s3, s7;
	s7 =	simm.s32 @!p0 $0x108  }
0x21: {  	s3 =	sadd.s32 s3, s9;
	s6 =	sadd.s32 @!p0 $0x88, s6;
	s7 =	simm.s32 @p2 $0x1082  }
0x22: {  	[simem:s7], [sflag:s8] =	dma.local @!p0 [hbm:s6], $0xF7A  }
0x23: {  	s9 =	sor.u32 $0xD0000000, s2;
	s6 =	simm.s32 $0x108;
	_ =	swait.ge @!p0 [sflag:s8], $0x0  }
0x24: {  	s3 =	sadd.s32 $0x88, s3;
	s6 =	simm.s32 @!p1 $0x1082;
	[sflag:s4] =	ssyncset.s32 $0xFFFFF086  }
0x25: {  	[simem:s6], [sflag:s4] =	dma.local [hbm:s3], $0xF7A  }
0x26: {  	[smem:$0x3F9D] =	sst s1;
	(tag) =	ssettag s2;
	_ =	strace s9  }
0x27: {  	s1 =	sld [smem:$0x3FAD]  }
0x28: {  	s2 =	sld [smem:$0x3FAE]  }
0x29: {  	s4 =	sld [smem:$0x3FB0]  }
0x2a: {  	p0 =	seq.s32 s5, $0x0;
	s5 =	sld [smem:$0x3FB1]  }
0x2b: {  	s6 =	sld [smem:$0x3FB2]  }
0x2c: {  	s7 =	sld [smem:$0x3FB3]  }
0x2d: {  	s3 =	simm.s32 $0x108;
	s8 =	sld [smem:$0x3FB4]  }
0x2e: {  	s3 =	simm.s32 @!p0 $0x1082;
	s9 =	sld [smem:$0x3FB5]  }
0x2f: {  	lr =	sadd.s32 s0, s3;
	s0 =	sld [smem:$0x3FAC]  }
0x30: {  	s3 =	sld [smem:$0x3FAF]  }
0x31: {  	[smem:$0x3FB8] =	sst s10  }
0x32: {  	s10 =	sld [smem:$0x3FB6];
	_ =	sdelay $0x3  }
0x33: {  	p0 =	seq.s32 s10, $0x1;
	s10 =	sld [smem:$0x3FB8];
	_ =	sdelay $0x3  }
0x34: {  	[smem:$0x3FB8] =	sst s10  }
0x35: {  	s10 =	sld [smem:$0x3FB7];
	_ =	sdelay $0x3  }
0x36: {  	p1 =	seq.s32 s10, $0x1;
	s10 =	sld [smem:$0x3FB8];
	_ =	sdelay $0x3  }
0x37: {  	[smem:$0x3FB8] =	sst s10  }
0x38: {  	s10 =	sld [smem:$0x3FB9]  }
0x39: {  	_ = 	snop;
	(pc) =	sbr.ind lr, $3  }
0x3a: {  	_ = 	snop  }
0x3b: {  	_ = 	snop  }
0x3c: {  	p2 =	seq.s32 s10, $0x1;
	s10 =	sld [smem:$0x3FB8]  }
0x3d: {  	_ =	shalt  }
0x3e: {  	_ =	shalt  }
0x3f: {  	_ =	shalt  }
0x40: {  	_ =	shalt  }
0x41: {  	_ =	shalt  }
0x42: {  	_ =	shalt  }
0x43: {  	_ =	shalt  }
0x44: {  	_ =	shalt  }
0x45: {  	_ =	shalt  }
0x46: {  	_ =	shalt  }
0x47: {  	_ =	shalt  }
0x48: {  	_ =	shalt  }
0x49: {  	_ =	shalt  }
0x4a: {  	_ =	shalt  }
0x4b: {  	_ =	shalt  }
0x4c: {  	_ =	shalt  }
0x4d: {  	_ =	shalt  }
0x4e: {  	_ =	shalt  }
0x4f: {  	_ =	shalt  }
0x50: {  	_ =	shalt  }
0x51: {  	_ =	shalt  }
0x52: {  	_ =	shalt  }
0x53: {  	_ =	shalt  }
0x54: {  	_ =	shalt  }
0x55: {  	_ =	shalt  }
0x56: {  	_ =	shalt  }
0x57: {  	_ =	shalt  }
0x58: {  	_ =	shalt  }
0x59: {  	_ =	shalt  }
0x5a: {  	_ =	shalt  }
0x5b: {  	_ =	shalt  }
0x5c: {  	_ =	shalt  }
0x5d: {  	_ =	shalt  }
0x5e: {  	_ =	shalt  }
0x5f: {  	_ =	shalt  }
0x60: {  	_ =	shalt  }
0x61: {  	_ =	shalt  }
0x62: {  	_ =	shalt  }
0x63: {  	_ =	shalt  }
0x64: {  	_ =	shalt  }
0x65: {  	_ =	shalt  }
0x66: {  	_ =	shalt  }
0x67: {  	_ =	shalt  }
0x68: {  	_ =	shalt  }
0x69: {  	_ =	shalt  }
0x6a: {  	_ =	shalt  }
0x6b: {  	_ =	shalt  }
0x6c: {  	_ =	shalt  }
0x6d: {  	_ =	shalt  }
0x6e: {  	_ =	shalt  }
0x6f: {  	_ =	shalt  }
0x70: {  	_ =	shalt  }
0x71: {  	_ =	shalt  }
0x72: {  	_ =	shalt  }
0x73: {  	_ =	shalt  }
0x74: {  	_ =	shalt  }
0x75: {  	_ =	shalt  }
0x76: {  	_ =	shalt  }
0x77: {  	_ =	shalt  }
0x78: {  	_ =	shalt  }
0x79: {  	_ =	shalt  }
0x7a: {  	_ =	shalt  }
0x7b: {  	_ =	shalt  }
0x7c: {  	_ =	shalt  }
0x7d: {  	_ =	shalt  }
0x7e: {  	_ =	shalt  }
0x7f: {  	_ =	shalt  }
0x80: {  	_ =	shalt  }
0x81: {  	_ =	shalt  }
0x82: {  	_ =	shalt  }
0x83: {  	_ =	shalt  }
0x84: {  	_ =	shalt  }
0x85: {  	_ =	shalt  }
0x86: {  	_ =	shalt  }
0x87: {  	_ =	shalt  }
.Lfunc_end0:
.L_simem_size_0:
called_computation_lowered:
.L_overlay_start_0:
0x88: {  	s2 =	sld [smem:$0x3FD9]  }
0x89: {  	s3 =	sld [smem:$0x3FFE];
	_ =	sdelay $0x1  }
0x8a: {  	s1 =	srdreg.scid  }
0x8b: {  	s0 =	sand.u32 $0x1, s1  }
0x8c: {  	s17 =	sshll.u32 s0, $0xA;
	s2 =	sadd.s32 s3, s2  }
0x8d: {  	s2 =	sadd.s32 s2, s17  }
0x8e: {  	[smem:$0x3FC4] =	sst s2  }
0x8f: {  	_ = 	snop  }
0x90: {  	s2 =	sld [smem:$0x3FD0];
	(tm) =	ssettm $0x1  }
0x91: {  	s18 =	sld [smem:$0x3FFB];
	_ =	sdelay $0x3  }
0x92: {  	_ =	strace s18  }
0x93: {  	s3 =	sld [smem:$0x3FFC];
	_ =	sdelay $0x3  }
0x94: {  	_ =	strace s3  }
0x95: {  	s3 =	sld [smem:$0x3FFD];
	_ =	sdelay $0x3  }
0x96: {  	_ =	strace s3  }
0x97: {  	_ =	strace $0x8FFFFFFF  }
0x98: {  	s19 =	sld [smem:$0x3FDB];
	_ =	sdelay $0x1  }
0x99: {  	s4 =	simm.s32 $_scs_section_size  }
0x9a: {  	s5 =	simm.s32 $_size__tile_overlayer_lowered;
	s6 =	simm.s32 $_tile_overlayer_lowered  }
0x9b: {  	s22 =	simm.s32 $0x1BFF;
	s21 =	sshll.u32 s6, $0x1;
	s3 =	sadd.s32 s4, s19  }
0x9c: {  	s7 =	simm.s32 $0x0;
	s20 =	sshll.u32 s5, $0x1;
	s5 =	sadd.s32 s21, s3  }
0x9d: {  	[timem:s7], [sflag:s22] =	dma.local [hbm:s5], s20  }
0x9e: {  	_ =	swait.ge [sflag:s22], s20  }
0x9f: {  	s4 =	ssub.s32 $0x0, s20;
	[sflag:s22] =	ssyncset.done $0x0  }
0xa0: {  	[sflag:s22] =	ssyncadd.s32 s4;
	_ =	sdelay $0x1  }
0xa1: {  	s23 =	simm.s32 $0x1B8B  }
0xa2: {  	_ =	swait.ge [sflag:s23], $0x1  }
0xa3: {  	[sflag:s23] =	ssyncset.done $0x0  }
0xa4: {  	s25 =	simm.s32 $0x1B8E;
	s24 =	sld [smem:$0x3FFE];
	[sflag:s23] =	ssyncadd.s32 $0xFFFFFFFF  }
0xa5: {  	s26 =	simm.s32 $execute0_lowered;
	[smem:$0x3FD2] =	sst s25  }
0xa6: {  	s5 =	sshll.u32 s26, $0x1;
	_ =	strace $0x80000046;
	[dreg:$0x1] =	wrdreg $0xFFFFFFFF  }
0xa7: {  	s28 =	simm.s32 $_size_execute0_lowered;
	s3 =	sadd.s32 s3, s5;
	[dreg:$0x0] =	wrdreg $0x0  }
0xa8: {  	s5 =	sshll.u32 s28, $0x1;
	[dreg:$0x2] =	wrdreg s3  }
0xa9: {  	[dreg:$0x3] =	wrdreg s5  }
0xaa: {  	[dreg:$0x4] =	wrdreg $0xC0  }
0xab: {  	_ =	task [dreg:s7], $0x5FFFF  }
0xac: {  	[dreg:$0x1] =	wrdreg $0xFFFFFFFF  }
0xad: {  	[dreg:$0x0] =	wrdreg $0x60  }
0xae: {  	[dreg:$0x2] =	wrdreg s24  }
0xaf: {  	[dreg:$0x3] =	wrdreg s2  }
0xb0: {  	[dreg:$0x4] =	wrdreg $0x9  }
0xb1: {  	_ =	task.clear_ibuf [dreg:s7], $0x5FFFF;
	_ =	strace $0x90000046  }
0xb2: {  	s29 =	simm.s32 $0x9;
	_ =	strace $0x80000048  }
0xb3: {  	_ =	swait.ge [sflag:s29], $0x1  }
0xb4: {  	[sflag:s29] =	ssyncadd.s32 $0xFFFFFFFF  }
0xb5: {  	_ =	strace $0x90000048  }
0xb6: {  	_ =	sfence  }
0xb7: {  	s30 =	sld [smem:$0x0];
	_ =	sdelay $0x2  }
0xb8: {  	s31 =	sshll.u32 s1, $0xD;
	s1 =	sshrl.u32 s1, $0x2  }
0xb9: {  	s3 =	sand.u32 $0x4000, s31;
	s1 =	sadd.s32 s1, s30  }
0xba: {  	s0 =	sor.u32 s3, s0;
	s1 =	sshll.u32 s1, $0x11  }
0xbb: {  	s0 =	sor.u32 s1, s0  }
0xbc: {  	s0 =	sadd.s32 $0x8F2B, s0  }
0xbd: {  	[sflag:s0] =	ssyncadd.remote.s32 $0x1  }
0xbe: {  	_ =	sfence.sel $0xFFFF  }
0xbf: {  	[dreg:$0x0] =	wrdreg $0xFFFFFFFF;
	(pc) =	sbr.abs _section_cstart, $3  }
0xc0: {  	[dreg:$0x1] =	wrdreg $0xFFFFFFFF  }
0xc1: {  	_ =	task.clear_ibuf [dreg:s7], $0x2FFFF;
	_ =	strace $0x9FFFFFFF  }
0xc2: {  	(tm) =	ssettm $0x7FFFFFFF  }
0xc3: {  	_ =	shalt  }
tec
execute0_lowered:
.L_overlay_start_1:
0x0: {  	(tag) =	ssettag $0x1  }
0x1: {  	s0 =	rddreg [dreg:$0x0]  }
0x2: {  	s1 =	srdreg.scid;
	s7 =	stileid.u32  }
0x3: {  	s12 =	rddreg [dreg:$0x1];
	s2 =	simm.s32 $0x0;
	s14 =	simm.s32 $0x3  }
0x4: {  	s15 =	simm.s32 $0xA00;
	s23 =	simm.s32 $0x4A00;
	s24 =	simm.s32 $0x14A00  }
0x5: {  	s31 =	simm.s32 $0x17A00;
	s16 =	simm.s32 $0x18200;
	s17 =	simm.s32 $0x2  }
0x6: {  	s1 =	sand.u32 $0x1, s1;
	s3 =	sshll.u32 s7, $0x1;
	s8 =	smul.u32 $0xA0, s7  }
0x7: {  	s3 =	sor.u32 s1, s3;
	s6 =	ssub.s32 $0x2, s1;
	s1 =	smul.u32 $0x50, s1  }
0x8: {  	s18 =	simm.s32 $0x0;
	[smem:$0x7FF] =	sst s2;
	s4 =	smul.u32 $0x140, s3  }
0x9: {  	_ =	strace $0x80000047;
	s5 =	smul.u32 $0x28000, s3;
	s29 =	sshrl.u32 s6, $0x1  }
0xa: {  	s3 =	sadd.s32 $0x3400, s0;
	s9 =	ssub.s32 s6, s29;
	s6 =	sadd.s32 $0x3500, s0  }
0xb: {  	s30 =	sadd.s32 s1, s8;
	s1 =	simm.s32 $0x1;
	s4 =	sadd.s32 s4, s0  }
0xc: {  	s5 =	sadd.s32 s12, s5;
	s8 =	smax.u32 s9, $0x1;
	s0 =	sshll.u32 s30, $0xB  }
0xd: {  	v2 =	vlaneseq.u32;
	s4 =	sadd.s32 $0xC00, s4;
	s7 =	sadd.s32 $0x800, s5;
	s9 =	sadd.s32 $0x26000, s5  }
0xe: {  	vm0 =	vmmov $0xffff;
	v1 =	vshrl.u32 v2, $0x3;
	s10 =	sadd.s32 $0x26800, s5;
	s11 =	sadd.s32 $0x27000, s5;
	s0 =	sadd.s32 s0, s12  }
0xf: {  	v0 =	vand.u32 $0x7, v2;
	v2 =	vor.u32 $0x8, v2;
	v1 =	vmul.u32 $0x8, v1;
	s12 =	sadd.s32 $0x27800, s5;
	s13 =	sadd.s32 $0x1000, s0;
	s0 =	simm.s32 $0x10A00  }
.LBB2_1:
0x10: {  	[tilespmem:s2], [sflag:$0x3] =	stream.linear.gather [hbm4b:s4+s2], $0xA00, $0x38;
	[tilespmem:$0x18A00] =	vst v63  }
0x11: {  	_ =	swait.ge [sflag:s14], $0xA00  }
0x12: {  	[sflag:s14] =	ssyncset.done $0x0  }
0x13: {  	[sflag:s14] =	ssyncadd.s32 $0xFFFFF600  }
0x14: {  	v3 =	vld [tilespmem:$0x0];
	_ =	sdelay $0x4  }
0x15: {  	v4 =	vshll.u32 v3, $0x2  }
0x16: {  	v3 =	vand.u32 $0x7, v3;
	v4 =	vand.u32 $0xFFFFFFE0, v4  }
0x17: {  	v3 =	vor.u32 v3, v4  }
0x18: {  	v4 =	vperm.xlane v3, v0;
	_ =	sdelay $0x1  }
0x19: {  	v4 =	vadd.s32 v1, v4;
	_ =	sdelay $0x1  }
0x1a: {  	v3 =	vperm.xlane v3, v2;
	_ =	sdelay $0x1  }
0x1b: {  	v3 =	vadd.s32 v1, v3  }
0x1c: {  	[tilespmem:s15], [sflag:$0x1] =	stream.indirect_vreg.gather [hbm4b:s3+s2], $0x80, v4, vm0, $0xb8;
	[tilespmem:$0x18A00] =	vst v63  }
0x1d: {  	s19 =	simm.s32 $0x1200  }
0x1e: {  	[tilespmem:s19], [sflag:$0x1] =	stream.indirect_vreg.gather [hbm4b:s6+s2], $0x80, v4, vm0, $0xb8;
	[tilespmem:$0x18A00] =	vst v63  }
0x1f: {  	s26 =	simm.s32 $0x1A00  }
0x20: {  	[tilespmem:s26], [sflag:$0x1] =	stream.indirect_vreg.gather [hbm4b:s3+s2], $0x80, v3, vm0, $0xb8;
	[tilespmem:$0x18A00] =	vst v63  }
0x21: {  	s30 =	simm.s32 $0x2200  }
0x22: {  	[tilespmem:s30], [sflag:$0x1] =	stream.indirect_vreg.gather [hbm4b:s6+s2], $0x80, v3, vm0, $0xb8;
	[tilespmem:$0x18A00] =	vst v63  }
0x23: {  	v3 =	vld [tilespmem:$0x10];
	_ =	sdelay $0x4  }
0x24: {  	v4 =	vshll.u32 v3, $0x2  }
0x25: {  	v3 =	vand.u32 $0x7, v3;
	v4 =	vand.u32 $0xFFFFFFE0, v4  }
0x26: {  	v3 =	vor.u32 v3, v4  }
0x27: {  	v4 =	vperm.xlane v3, v0;
	_ =	sdelay $0x1  }
0x28: {  	v4 =	vadd.s32 v1, v4;
	_ =	sdelay $0x1  }
0x29: {  	v3 =	vperm.xlane v3, v2;
	_ =	sdelay $0x1  }
0x2a: {  	s20 =	simm.s32 $0x2A00;
	v3 =	vadd.s32 v1, v3  }
0x2b: {  	[tilespmem:s20], [sflag:$0x1] =	stream.indirect_vreg.gather [hbm4b:s3+s2], $0x80, v4, vm0, $0xb8;
	[tilespmem:$0x18A00] =	vst v63  }
0x2c: {  	s21 =	simm.s32 $0x3200  }
0x2d: {  	[tilespmem:s21], [sflag:$0x1] =	stream.indirect_vreg.gather [hbm4b:s6+s2], $0x80, v4, vm0, $0xb8;
	[tilespmem:$0x18A00] =	vst v63  }
0x2e: {  	s22 =	simm.s32 $0x3A00  }
0x2f: {  	[tilespmem:s22], [sflag:$0x1] =	stream.indirect_vreg.gather [hbm4b:s3+s2], $0x80, v3, vm0, $0xb8;
	[tilespmem:$0x18A00] =	vst v63  }
0x30: {  	s25 =	simm.s32 $0x4200  }
0x31: {  	[tilespmem:s25], [sflag:$0x1] =	stream.indirect_vreg.gather [hbm4b:s6+s2], $0x80, v3, vm0, $0xb8;
	[tilespmem:$0x18A00] =	vst v63  }
0x32: {  	v3 =	vld [tilespmem:$0x20];
	_ =	sdelay $0x4  }
0x33: {  	v4 =	vshll.u32 v3, $0x2  }
0x34: {  	v3 =	vand.u32 $0x7, v3;
	v4 =	vand.u32 $0xFFFFFFE0, v4  }
0x35: {  	v3 =	vor.u32 v3, v4  }
0x36: {  	v4 =	vperm.xlane v3, v0;
	_ =	sdelay $0x1  }
0x37: {  	v4 =	vadd.s32 v1, v4;
	_ =	sdelay $0x1  }
0x38: {  	v3 =	vperm.xlane v3, v2;
	_ =	sdelay $0x1  }
0x39: {  	v3 =	vadd.s32 v1, v3  }
0x3a: {  	[tilespmem:s23], [sflag:$0x1] =	stream.indirect_vreg.gather [hbm4b:s3+s2], $0x80, v4, vm0, $0xb8;
	[tilespmem:$0x18A00] =	vst v63  }
0x3b: {  	s26 =	simm.s32 $0x5200  }
0x3c: {  	[tilespmem:s26], [sflag:$0x1] =	stream.indirect_vreg.gather [hbm4b:s6+s2], $0x80, v4, vm0, $0xb8;
	[tilespmem:$0x18A00] =	vst v63  }
0x3d: {  	s30 =	simm.s32 $0x5A00  }
0x3e: {  	[tilespmem:s30], [sflag:$0x1] =	stream.indirect_vreg.gather [hbm4b:s3+s2], $0x80, v3, vm0, $0xb8;
	[tilespmem:$0x18A00] =	vst v63  }
0x3f: {  	s20 =	simm.s32 $0x6200  }
0x40: {  	[tilespmem:s20], [sflag:$0x1] =	stream.indirect_vreg.gather [hbm4b:s6+s2], $0x80, v3, vm0, $0xb8;
	[tilespmem:$0x18A00] =	vst v63  }
0x41: {  	v3 =	vld [tilespmem:$0x30];
	_ =	sdelay $0x4  }
0x42: {  	v4 =	vshll.u32 v3, $0x2  }
0x43: {  	v3 =	vand.u32 $0x7, v3;
	v4 =	vand.u32 $0xFFFFFFE0, v4  }
0x44: {  	v3 =	vor.u32 v3, v4  }
0x45: {  	v4 =	vperm.xlane v3, v0;
	_ =	sdelay $0x1  }
0x46: {  	v4 =	vadd.s32 v1, v4;
	_ =	sdelay $0x1  }
0x47: {  	v3 =	vperm.xlane v3, v2;
	_ =	sdelay $0x1  }
0x48: {  	s21 =	simm.s32 $0x6A00;
	v3 =	vadd.s32 v1, v3  }
0x49: {  	[tilespmem:s21], [sflag:$0x1] =	stream.indirect_vreg.gather [hbm4b:s3+s2], $0x80, v4, vm0, $0xb8;
	[tilespmem:$0x18A00] =	vst v63  }
0x4a: {  	s22 =	simm.s32 $0x7200  }
0x4b: {  	[tilespmem:s22], [sflag:$0x1] =	stream.indirect_vreg.gather [hbm4b:s6+s2], $0x80, v4, vm0, $0xb8;
	[tilespmem:$0x18A00] =	vst v63  }
0x4c: {  	s25 =	simm.s32 $0x7A00  }
0x4d: {  	[tilespmem:s25], [sflag:$0x1] =	stream.indirect_vreg.gather [hbm4b:s3+s2], $0x80, v3, vm0, $0xb8;
	[tilespmem:$0x18A00] =	vst v63  }
0x4e: {  	s26 =	simm.s32 $0x8200  }
0x4f: {  	[tilespmem:s26], [sflag:$0x1] =	stream.indirect_vreg.gather [hbm4b:s6+s2], $0x80, v3, vm0, $0xb8;
	[tilespmem:$0x18A00] =	vst v63  }
0x50: {  	v3 =	vld [tilespmem:$0x40];
	_ =	sdelay $0x4  }
0x51: {  	v4 =	vshll.u32 v3, $0x2  }
0x52: {  	v3 =	vand.u32 $0x7, v3;
	v4 =	vand.u32 $0xFFFFFFE0, v4  }
0x53: {  	v3 =	vor.u32 v3, v4  }
0x54: {  	v4 =	vperm.xlane v3, v0;
	_ =	sdelay $0x1  }
0x55: {  	v4 =	vadd.s32 v1, v4;
	_ =	sdelay $0x1  }
0x56: {  	v3 =	vperm.xlane v3, v2;
	_ =	sdelay $0x1  }
0x57: {  	s30 =	simm.s32 $0x8A00;
	v3 =	vadd.s32 v1, v3  }
0x58: {  	[tilespmem:s30], [sflag:$0x1] =	stream.indirect_vreg.gather [hbm4b:s3+s2], $0x80, v4, vm0, $0xb8;
	[tilespmem:$0x18A00] =	vst v63  }
0x59: {  	s20 =	simm.s32 $0x9200  }
0x5a: {  	[tilespmem:s20], [sflag:$0x1] =	stream.indirect_vreg.gather [hbm4b:s6+s2], $0x80, v4, vm0, $0xb8;
	[tilespmem:$0x18A00] =	vst v63  }
0x5b: {  	s21 =	simm.s32 $0x9A00  }
0x5c: {  	[tilespmem:s21], [sflag:$0x1] =	stream.indirect_vreg.gather [hbm4b:s3+s2], $0x80, v3, vm0, $0xb8;
	[tilespmem:$0x18A00] =	vst v63  }
0x5d: {  	s22 =	simm.s32 $0xA200  }
0x5e: {  	[tilespmem:s22], [sflag:$0x1] =	stream.indirect_vreg.gather [hbm4b:s6+s2], $0x80, v3, vm0, $0xb8;
	[tilespmem:$0x18A00] =	vst v63  }
0x5f: {  	v3 =	vld [tilespmem:$0x50];
	_ =	sdelay $0x4  }
0x60: {  	v4 =	vshll.u32 v3, $0x2  }
0x61: {  	v3 =	vand.u32 $0x7, v3;
	v4 =	vand.u32 $0xFFFFFFE0, v4  }
0x62: {  	v3 =	vor.u32 v3, v4  }
0x63: {  	v4 =	vperm.xlane v3, v0;
	_ =	sdelay $0x1  }
0x64: {  	v4 =	vadd.s32 v1, v4;
	_ =	sdelay $0x1  }
0x65: {  	v3 =	vperm.xlane v3, v2;
	_ =	sdelay $0x1  }
0x66: {  	s25 =	simm.s32 $0xAA00;
	v3 =	vadd.s32 v1, v3  }
0x67: {  	[tilespmem:s25], [sflag:$0x1] =	stream.indirect_vreg.gather [hbm4b:s3+s2], $0x80, v4, vm0, $0xb8;
	[tilespmem:$0x18A00] =	vst v63  }
0x68: {  	s26 =	simm.s32 $0xB200  }
0x69: {  	[tilespmem:s26], [sflag:$0x1] =	stream.indirect_vreg.gather [hbm4b:s6+s2], $0x80, v4, vm0, $0xb8;
	[tilespmem:$0x18A00] =	vst v63  }
0x6a: {  	s30 =	simm.s32 $0xBA00  }
0x6b: {  	[tilespmem:s30], [sflag:$0x1] =	stream.indirect_vreg.gather [hbm4b:s3+s2], $0x80, v3, vm0, $0xb8;
	[tilespmem:$0x18A00] =	vst v63  }
0x6c: {  	s20 =	simm.s32 $0xC200  }
0x6d: {  	[tilespmem:s20], [sflag:$0x1] =	stream.indirect_vreg.gather [hbm4b:s6+s2], $0x80, v3, vm0, $0xb8;
	[tilespmem:$0x18A00] =	vst v63  }
0x6e: {  	v3 =	vld [tilespmem:$0x60];
	_ =	sdelay $0x4  }
0x6f: {  	v4 =	vshll.u32 v3, $0x2  }
0x70: {  	v3 =	vand.u32 $0x7, v3;
	v4 =	vand.u32 $0xFFFFFFE0, v4  }
0x71: {  	v3 =	vor.u32 v3, v4  }
0x72: {  	v4 =	vperm.xlane v3, v0;
	_ =	sdelay $0x1  }
0x73: {  	v4 =	vadd.s32 v1, v4;
	_ =	sdelay $0x1  }
0x74: {  	v3 =	vperm.xlane v3, v2;
	_ =	sdelay $0x1  }
0x75: {  	s21 =	simm.s32 $0xCA00;
	v3 =	vadd.s32 v1, v3  }
0x76: {  	[tilespmem:s21], [sflag:$0x1] =	stream.indirect_vreg.gather [hbm4b:s3+s2], $0x80, v4, vm0, $0xb8;
	[tilespmem:$0x18A00] =	vst v63  }
0x77: {  	s22 =	simm.s32 $0xD200  }
0x78: {  	[tilespmem:s22], [sflag:$0x1] =	stream.indirect_vreg.gather [hbm4b:s6+s2], $0x80, v4, vm0, $0xb8;
	[tilespmem:$0x18A00] =	vst v63  }
0x79: {  	s25 =	simm.s32 $0xDA00  }
0x7a: {  	[tilespmem:s25], [sflag:$0x1] =	stream.indirect_vreg.gather [hbm4b:s3+s2], $0x80, v3, vm0, $0xb8;
	[tilespmem:$0x18A00] =	vst v63  }
0x7b: {  	s26 =	simm.s32 $0xE200  }
0x7c: {  	[tilespmem:s26], [sflag:$0x1] =	stream.indirect_vreg.gather [hbm4b:s6+s2], $0x80, v3, vm0, $0xb8;
	[tilespmem:$0x18A00] =	vst v63  }
0x7d: {  	v3 =	vld [tilespmem:$0x70];
	_ =	sdelay $0x4  }
0x7e: {  	v4 =	vshll.u32 v3, $0x2  }
0x7f: {  	v3 =	vand.u32 $0x7, v3;
	v4 =	vand.u32 $0xFFFFFFE0, v4  }
0x80: {  	v3 =	vor.u32 v3, v4  }
0x81: {  	v4 =	vperm.xlane v3, v0;
	_ =	sdelay $0x1  }
0x82: {  	v4 =	vadd.s32 v1, v4;
	_ =	sdelay $0x1  }
0x83: {  	v3 =	vperm.xlane v3, v2;
	_ =	sdelay $0x1  }
0x84: {  	s30 =	simm.s32 $0xEA00;
	v3 =	vadd.s32 v1, v3  }
0x85: {  	[tilespmem:s30], [sflag:$0x1] =	stream.indirect_vreg.gather [hbm4b:s3+s2], $0x80, v4, vm0, $0xb8;
	[tilespmem:$0x18A00] =	vst v63  }
0x86: {  	s20 =	simm.s32 $0xF200  }
0x87: {  	[tilespmem:s20], [sflag:$0x1] =	stream.indirect_vreg.gather [hbm4b:s6+s2], $0x80, v4, vm0, $0xb8;
	[tilespmem:$0x18A00] =	vst v63  }
0x88: {  	s21 =	simm.s32 $0xFA00  }
0x89: {  	[tilespmem:s21], [sflag:$0x1] =	stream.indirect_vreg.gather [hbm4b:s3+s2], $0x80, v3, vm0, $0xb8;
	[tilespmem:$0x18A00] =	vst v63  }
0x8a: {  	s22 =	simm.s32 $0x10200  }
0x8b: {  	[tilespmem:s22], [sflag:$0x1] =	stream.indirect_vreg.gather [hbm4b:s6+s2], $0x80, v3, vm0, $0xb8;
	[tilespmem:$0x18A00] =	vst v63  }
0x8c: {  	_ =	swait.ge [sflag:s1], $0x4000  }
0x8d: {  	[sflag:s1] =	ssyncset.done $0x0  }
0x8e: {  	[sflag:s1] =	ssyncadd.s32 $0xFFFFC000  }
0x8f: {  	[hbm4b:s5+s2] =	stream.linear.scatter [tilespmem:s15], [sflag:$0x2], $0x4000, $0x38;
	[tilespmem:$0x18A00] =	vst v63  }
0x90: {  	v3 =	vld [tilespmem:$0x80];
	_ =	sdelay $0x4  }
0x91: {  	v4 =	vshll.u32 v3, $0x2  }
0x92: {  	v3 =	vand.u32 $0x7, v3;
	v4 =	vand.u32 $0xFFFFFFE0, v4  }
0x93: {  	v3 =	vor.u32 v3, v4  }
0x94: {  	v4 =	vperm.xlane v3, v0;
	_ =	sdelay $0x1  }
0x95: {  	v4 =	vadd.s32 v1, v4;
	_ =	sdelay $0x1  }
0x96: {  	v3 =	vperm.xlane v3, v2;
	_ =	sdelay $0x1  }
0x97: {  	v3 =	vadd.s32 v1, v3  }
0x98: {  	[tilespmem:s0], [sflag:$0x1] =	stream.indirect_vreg.gather [hbm4b:s3+s2], $0x80, v4, vm0, $0xb8;
	[tilespmem:$0x18A00] =	vst v63  }
0x99: {  	s25 =	simm.s32 $0x11200  }
0x9a: {  	[tilespmem:s25], [sflag:$0x1] =	stream.indirect_vreg.gather [hbm4b:s6+s2], $0x80, v4, vm0, $0xb8;
	[tilespmem:$0x18A00] =	vst v63  }
0x9b: {  	s26 =	simm.s32 $0x11A00  }
0x9c: {  	[tilespmem:s26], [sflag:$0x1] =	stream.indirect_vreg.gather [hbm4b:s3+s2], $0x80, v3, vm0, $0xb8;
	[tilespmem:$0x18A00] =	vst v63  }
0x9d: {  	s30 =	simm.s32 $0x12200  }
0x9e: {  	[tilespmem:s30], [sflag:$0x1] =	stream.indirect_vreg.gather [hbm4b:s6+s2], $0x80, v3, vm0, $0xb8;
	[tilespmem:$0x18A00] =	vst v63  }
0x9f: {  	v3 =	vld [tilespmem:$0x90];
	_ =	sdelay $0x4  }
0xa0: {  	v4 =	vshll.u32 v3, $0x2  }
0xa1: {  	v3 =	vand.u32 $0x7, v3;
	v4 =	vand.u32 $0xFFFFFFE0, v4  }
0xa2: {  	v3 =	vor.u32 v3, v4  }
0xa3: {  	v4 =	vperm.xlane v3, v0;
	_ =	sdelay $0x1  }
0xa4: {  	v4 =	vadd.s32 v1, v4;
	_ =	sdelay $0x1  }
0xa5: {  	v3 =	vperm.xlane v3, v2;
	_ =	sdelay $0x1  }
0xa6: {  	s20 =	simm.s32 $0x12A00;
	v3 =	vadd.s32 v1, v3  }
0xa7: {  	[tilespmem:s20], [sflag:$0x1] =	stream.indirect_vreg.gather [hbm4b:s3+s2], $0x80, v4, vm0, $0xb8;
	[tilespmem:$0x18A00] =	vst v63  }
0xa8: {  	s21 =	simm.s32 $0x13200  }
0xa9: {  	[tilespmem:s21], [sflag:$0x1] =	stream.indirect_vreg.gather [hbm4b:s6+s2], $0x80, v4, vm0, $0xb8;
	[tilespmem:$0x18A00] =	vst v63  }
0xaa: {  	s22 =	simm.s32 $0x13A00  }
0xab: {  	[tilespmem:s22], [sflag:$0x1] =	stream.indirect_vreg.gather [hbm4b:s3+s2], $0x80, v3, vm0, $0xb8;
	[tilespmem:$0x18A00] =	vst v63  }
0xac: {  	s25 =	simm.s32 $0x14200  }
0xad: {  	[tilespmem:s25], [sflag:$0x1] =	stream.indirect_vreg.gather [hbm4b:s6+s2], $0x80, v3, vm0, $0xb8;
	[tilespmem:$0x18A00] =	vst v63  }
0xae: {  	_ =	swait.ge [sflag:s1], $0x4000  }
0xaf: {  	[sflag:s1] =	ssyncset.done $0x0  }
0xb0: {  	[sflag:s1] =	ssyncadd.s32 $0xFFFFC000  }
0xb1: {  	[hbm4b:s7+s2] =	stream.linear.scatter [tilespmem:s23], [sflag:$0x2], $0x4000, $0x38;
	[tilespmem:$0x18A00] =	vst v63  }
0xb2: {  	v3 =	vld [tilespmem:$0xA0];
	_ =	sdelay $0x4  }
0xb3: {  	v4 =	vshll.u32 v3, $0x2  }
0xb4: {  	v3 =	vand.u32 $0x7, v3;
	v4 =	vand.u32 $0xFFFFFFE0, v4  }
0xb5: {  	v3 =	vor.u32 v3, v4  }
0xb6: {  	v4 =	vperm.xlane v3, v0;
	_ =	sdelay $0x1  }
0xb7: {  	v4 =	vadd.s32 v1, v4;
	_ =	sdelay $0x1  }
0xb8: {  	v3 =	vperm.xlane v3, v2;
	_ =	sdelay $0x1  }
0xb9: {  	v3 =	vadd.s32 v1, v3  }
0xba: {  	[tilespmem:s24], [sflag:$0x1] =	stream.indirect_vreg.gather [hbm4b:s3+s2], $0x80, v4, vm0, $0xb8;
	[tilespmem:$0x18A00] =	vst v63  }
0xbb: {  	s26 =	simm.s32 $0x15200  }
0xbc: {  	[tilespmem:s26], [sflag:$0x1] =	stream.indirect_vreg.gather [hbm4b:s6+s2], $0x80, v4, vm0, $0xb8;
	[tilespmem:$0x18A00] =	vst v63  }
0xbd: {  	s30 =	simm.s32 $0x15A00  }
0xbe: {  	[tilespmem:s30], [sflag:$0x1] =	stream.indirect_vreg.gather [hbm4b:s3+s2], $0x80, v3, vm0, $0xb8;
	[tilespmem:$0x18A00] =	vst v63  }
0xbf: {  	s20 =	simm.s32 $0x16200  }
0xc0: {  	[tilespmem:s20], [sflag:$0x1] =	stream.indirect_vreg.gather [hbm4b:s6+s2], $0x80, v3, vm0, $0xb8;
	[tilespmem:$0x18A00] =	vst v63  }
0xc1: {  	v3 =	vld [tilespmem:$0xB0];
	_ =	sdelay $0x4  }
0xc2: {  	v4 =	vshll.u32 v3, $0x2  }
0xc3: {  	v3 =	vand.u32 $0x7, v3;
	v4 =	vand.u32 $0xFFFFFFE0, v4  }
0xc4: {  	v3 =	vor.u32 v3, v4  }
0xc5: {  	v4 =	vperm.xlane v3, v0  }
0xc6: {  	s25 =	simm.s32 $0x6  }
0xc7: {  	s19 =	smul.u32 $0xAB, s25;
	v4 =	vadd.s32 v1, v4;
	_ =	sdelay $0x1  }
0xc8: {  	s20 =	sadd.s32 $0xFFFFFD54, s19;
	v3 =	vperm.xlane v3, v2  }
0xc9: {  	s20 =	sshrl.u32 s20, $0xA  }
0xca: {  	s21 =	simm.s32 $0x16A00;
	s20 =	sand.u32 $0x3F, s20;
	v3 =	vadd.s32 v1, v3  }
0xcb: {  	[tilespmem:s21], [sflag:$0x1] =	stream.indirect_vreg.gather [hbm4b:s3+s2], $0x80, v4, vm0, $0xb8;
	[tilespmem:$0x18A00] =	vst v63  }
0xcc: {  	s22 =	simm.s32 $0x17200;
	s20 =	smul.u32 $0x6, s20  }
0xcd: {  	[tilespmem:s22], [sflag:$0x1] =	stream.indirect_vreg.gather [hbm4b:s6+s2], $0x80, v4, vm0, $0xb8;
	[tilespmem:$0x18A00] =	vst v63  }
0xce: {  	s20 =	ssub.s32 $0x6, s20  }
0xcf: {  	[tilespmem:s31], [sflag:$0x1] =	stream.indirect_vreg.gather [hbm4b:s3+s2], $0x80, v3, vm0, $0xb8;
	[tilespmem:$0x18A00] =	vst v63  }
0xd0: {  	s20 =	sadd.s32 $0xFFFFFFFC, s20  }
0xd1: {  	[tilespmem:s16], [sflag:$0x1] =	stream.indirect_vreg.gather [hbm4b:s6+s2], $0x80, v3, vm0, $0xb8;
	[tilespmem:$0x18A00] =	vst v63  }
0xd2: {  	s20 =	sand.u32 $0xFF, s20;
	_ =	swait.ge [sflag:s1], $0x4000  }
0xd3: {  	s20 =	sshll.u32 s20, $0xE;
	[sflag:s1] =	ssyncset.done $0x0  }
0xd4: {  	s20 =	sor.u32 $0xA00, s20;
	[sflag:s1] =	ssyncadd.s32 $0xFFFFC000  }
0xd5: {  	[hbm4b:s13+s2] =	stream.linear.scatter [tilespmem:s20], [sflag:$0x2], $0x4000, $0x38;
	[tilespmem:$0x18A00] =	vst v63  }
0xd6: {  	_ =	swait.ge [sflag:s17], $0x4000  }
0xd7: {  	[sflag:s17] =	ssyncset.done $0x0  }
0xd8: {  	s26 =	simm.s32 $0xD0;
	[sflag:s17] =	ssyncadd.s32 $0xFFFFC000  }
0xd9: {  	v3 =	vld [tilespmem:s26+$0xFFFFFFF0];
	_ =	sdelay $0x4  }
0xda: {  	v4 =	vshll.u32 v3, $0x2  }
0xdb: {  	v3 =	vand.u32 $0x7, v3;
	v4 =	vand.u32 $0xFFFFFFE0, v4  }
0xdc: {  	s19 =	sshrl.u32 s19, $0xA;
	v3 =	vor.u32 v3, v4  }
0xdd: {  	s19 =	sand.u32 $0x3F, s19;
	v4 =	vperm.xlane v3, v0  }
0xde: {  	s19 =	smul.u32 $0x6, s19  }
0xdf: {  	v4 =	vadd.s32 v1, v4  }
0xe0: {  	s19 =	ssub.s32 $0x6, s19  }
0xe1: {  	s19 =	sand.u32 $0xFF, s19;
	v3 =	vperm.xlane v3, v2  }
0xe2: {  	s25 =	sshll.u32 s19, $0xE  }
0xe3: {  	s19 =	sor.u32 $0xA00, s25;
	v3 =	vadd.s32 v1, v3  }
0xe4: {  	[tilespmem:s19], [sflag:$0x1] =	stream.indirect_vreg.gather [hbm4b:s3+s2], $0x80, v4, vm0, $0xb8;
	[tilespmem:$0x18A00] =	vst v63  }
0xe5: {  	s30 =	sor.u32 $0x1200, s25  }
0xe6: {  	[tilespmem:s30], [sflag:$0x1] =	stream.indirect_vreg.gather [hbm4b:s6+s2], $0x80, v4, vm0, $0xb8;
	[tilespmem:$0x18A00] =	vst v63  }
0xe7: {  	s21 =	sor.u32 $0x1A00, s25  }
0xe8: {  	[tilespmem:s21], [sflag:$0x1] =	stream.indirect_vreg.gather [hbm4b:s3+s2], $0x80, v3, vm0, $0xb8;
	[tilespmem:$0x18A00] =	vst v63  }
0xe9: {  	s22 =	sor.u32 $0x2200, s25  }
0xea: {  	[tilespmem:s22], [sflag:$0x1] =	stream.indirect_vreg.gather [hbm4b:s6+s2], $0x80, v3, vm0, $0xb8;
	[tilespmem:$0x18A00] =	vst v63  }
0xeb: {  	v3 =	vld [tilespmem:s26+$0x0];
	_ =	sdelay $0x4  }
0xec: {  	v4 =	vshll.u32 v3, $0x2  }
0xed: {  	v3 =	vand.u32 $0x7, v3;
	v4 =	vand.u32 $0xFFFFFFE0, v4  }
0xee: {  	s21 =	simm.s32 $0x7;
	v3 =	vor.u32 v3, v4  }
0xef: {  	s26 =	smul.u32 $0xAB, s21;
	v4 =	vperm.xlane v3, v0;
	_ =	sdelay $0x1  }
0xf0: {  	s30 =	sshrl.u32 s26, $0xA;
	v5 =	vperm.xlane v3, v2;
	v3 =	vadd.s32 v1, v4  }
0xf1: {  	s19 =	sadd.s32 $0xFFFFFD54, s26;
	s20 =	sand.u32 $0x3F, s30  }
0xf2: {  	s29 =	sor.u32 $0x2A00, s25;
	s19 =	sshrl.u32 s19, $0xA;
	s26 =	smul.u32 $0x6, s20  }
0xf3: {  	s22 =	simm.s32 $0x8;
	s28 =	sand.u32 $0x3F, s19;
	s19 =	simm.s32 $0xF0  }
0xf4: {  	s20 =	sadd.s32 $0x800, s13;
	s28 =	smul.u32 $0x6, s28;
	s26 =	ssub.s32 $0x7, s26;
	v4 =	vadd.s32 v1, v5  }
.LBB2_2:
0xf5: {  	[tilespmem:s29], [sflag:$0x1] =	stream.indirect_vreg.gather [hbm4b:s3+s2], $0x80, v3, vm0, $0xb8;
	[tilespmem:$0x18A00] =	vst v63  }
0xf6: {  	s29 =	smov.u32 s22  }
0xf7: {  	p0 =	sne.s32 s22, $0x4F;
	s22 =	sadd.s32 $0x1, s22;
	s30 =	sor.u32 $0x3200, s25  }
0xf8: {  	s21 =	ssub.s32 s21, s28;
	s28 =	sor.u32 $0x3A00, s25;
	s25 =	sadd.s32 $0x4200, s25  }
0xf9: {  	[tilespmem:s30], [sflag:$0x1] =	stream.indirect_vreg.gather [hbm4b:s6+s2], $0x80, v3, vm0, $0xb8;
	[tilespmem:$0x18A00] =	vst v63  }
0xfa: {  	s30 =	sadd.s32 $0xFFFFFFFC, s21;
	s21 =	smov.u32 s29  }
0xfb: {  	[tilespmem:s28], [sflag:$0x1] =	stream.indirect_vreg.gather [hbm4b:s3+s2], $0x80, v4, vm0, $0xb8;
	[tilespmem:$0x18A00] =	vst v63  }
0xfc: {  	s28 =	sand.u32 $0xFF, s30  }
0xfd: {  	[tilespmem:s25], [sflag:$0x1] =	stream.indirect_vreg.gather [hbm4b:s6+s2], $0x80, v4, vm0, $0xb8;
	[tilespmem:$0x18A00] =	vst v63  }
0xfe: {  	s25 =	sshll.u32 s28, $0xE;
	_ =	swait.ge [sflag:s1], $0x4000  }
0xff: {  	[sflag:s1] =	ssyncset.done $0x0  }
0x100: {  	s25 =	sor.u32 $0xA00, s25;
	[sflag:s1] =	ssyncadd.s32 $0xFFFFC000  }
0x101: {  	[hbm4b:s20+s2] =	stream.linear.scatter [tilespmem:s25], [sflag:$0x2], $0x4000, $0x38;
	[tilespmem:$0x18A00] =	vst v63  }
0x102: {  	_ =	swait.ge [sflag:s17], $0x4000  }
0x103: {  	[sflag:s17] =	ssyncset.done $0x0  }
0x104: {  	[sflag:s17] =	ssyncadd.s32 $0xFFFFC000  }
0x105: {  	v3 =	vld [tilespmem:s19+$0xFFFFFFF0];
	_ =	sdelay $0x4  }
0x106: {  	v4 =	vand.u32 $0x7, v3;
	v3 =	vshll.u32 v3, $0x2  }
0x107: {  	v3 =	vand.u32 $0xFFFFFFE0, v3  }
0x108: {  	v3 =	vor.u32 v4, v3  }
0x109: {  	v4 =	vperm.xlane v3, v0;
	v3 =	vperm.xlane v3, v2;
	_ =	sdelay $0x1  }
0x10a: {  	v4 =	vadd.s32 v1, v4;
	_ =	sdelay $0x1  }
0x10b: {  	s25 =	sand.u32 $0xFF, s26  }
0x10c: {  	s25 =	sshll.u32 s25, $0xE  }
0x10d: {  	s26 =	sor.u32 $0xA00, s25;
	v3 =	vadd.s32 v1, v3  }
0x10e: {  	[tilespmem:s26], [sflag:$0x1] =	stream.indirect_vreg.gather [hbm4b:s3+s2], $0x80, v4, vm0, $0xb8;
	[tilespmem:$0x18A00] =	vst v63  }
0x10f: {  	s26 =	sor.u32 $0x1200, s25  }
0x110: {  	[tilespmem:s26], [sflag:$0x1] =	stream.indirect_vreg.gather [hbm4b:s6+s2], $0x80, v4, vm0, $0xb8;
	[tilespmem:$0x18A00] =	vst v63  }
0x111: {  	s26 =	sor.u32 $0x1A00, s25  }
0x112: {  	[tilespmem:s26], [sflag:$0x1] =	stream.indirect_vreg.gather [hbm4b:s3+s2], $0x80, v3, vm0, $0xb8;
	[tilespmem:$0x18A00] =	vst v63  }
0x113: {  	s26 =	sor.u32 $0x2200, s25  }
0x114: {  	[tilespmem:s26], [sflag:$0x1] =	stream.indirect_vreg.gather [hbm4b:s6+s2], $0x80, v3, vm0, $0xb8;
	[tilespmem:$0x18A00] =	vst v63  }
0x115: {  	v3 =	vld [tilespmem:s19+$0x0];
	_ =	sdelay $0x4  }
0x116: {  	v4 =	vand.u32 $0x7, v3;
	v3 =	vshll.u32 v3, $0x2  }
0x117: {  	v3 =	vand.u32 $0xFFFFFFE0, v3  }
0x118: {  	v3 =	vor.u32 v4, v3  }
0x119: {  	s26 =	smul.u32 $0xAB, s21;
	v4 =	vperm.xlane v3, v0;
	v5 =	vperm.xlane v3, v2;
	_ =	sdelay $0x1  }
.Ltmp0:
0x11a: {  	s28 =	sadd.s32 $0xFFFFFD54, s26;
	s26 =	sshrl.u32 s26, $0xA;
	v3 =	vadd.s32 v1, v4;
	(pc) =	sbr.rel @p0 .LBB2_2-.Ltmp0, $4  }
0x11b: {  	s26 =	sand.u32 $0x3F, s26  }
0x11c: {  	s28 =	sshrl.u32 s28, $0xA;
	s26 =	smul.u32 $0x6, s26  }
0x11d: {  	s20 =	sadd.s32 $0x800, s20;
	s19 =	sadd.s32 $0x20, s19;
	s28 =	sand.u32 $0x3F, s28  }
0x11e: {  	s29 =	sor.u32 $0x2A00, s25;
	s28 =	smul.u32 $0x6, s28;
	s26 =	ssub.s32 s21, s26;
	v4 =	vadd.s32 v1, v5  }
0x11f: {  	_ =	sdelay $0x3  }
0x120: {  	[tilespmem:s29], [sflag:$0x1] =	stream.indirect_vreg.gather [hbm4b:s3+s2], $0x80, v3, vm0, $0xb8;
	[tilespmem:$0x18A00] =	vst v63  }
0x121: {  	s22 =	sor.u32 $0x3200, s25  }
0x122: {  	[tilespmem:s22], [sflag:$0x1] =	stream.indirect_vreg.gather [hbm4b:s6+s2], $0x80, v3, vm0, $0xb8;
	[tilespmem:$0x18A00] =	vst v63  }
0x123: {  	s30 =	sor.u32 $0x3A00, s25;
	s21 =	ssub.s32 s21, s28  }
0x124: {  	[tilespmem:s30], [sflag:$0x1] =	stream.indirect_vreg.gather [hbm4b:s3+s2], $0x80, v4, vm0, $0xb8;
	[tilespmem:$0x18A00] =	vst v63  }
0x125: {  	s25 =	sadd.s32 $0x4200, s25;
	s21 =	sadd.s32 $0xFFFFFFFC, s21  }
0x126: {  	[tilespmem:s25], [sflag:$0x1] =	stream.indirect_vreg.gather [hbm4b:s6+s2], $0x80, v4, vm0, $0xb8;
	[tilespmem:$0x18A00] =	vst v63  }
0x127: {  	s21 =	sand.u32 $0xFF, s21;
	_ =	swait.ge [sflag:s1], $0x4000  }
0x128: {  	s21 =	sshll.u32 s21, $0xE;
	[sflag:s1] =	ssyncset.done $0x0  }
0x129: {  	s21 =	sor.u32 $0xA00, s21;
	[sflag:s1] =	ssyncadd.s32 $0xFFFFC000  }
0x12a: {  	[hbm4b:s20+s2] =	stream.linear.scatter [tilespmem:s21], [sflag:$0x2], $0x4000, $0x38;
	[tilespmem:$0x18A00] =	vst v63  }
0x12b: {  	_ =	swait.ge [sflag:s17], $0x4000  }
0x12c: {  	[sflag:s17] =	ssyncset.done $0x0  }
0x12d: {  	[sflag:s17] =	ssyncadd.s32 $0xFFFFC000  }
0x12e: {  	v3 =	vld [tilespmem:s19+$0xFFFFFFF0];
	_ =	sdelay $0x4  }
0x12f: {  	v62 =	vshll.u32 v3, $0x2  }
0x130: {  	v3 =	vand.u32 $0x7, v3;
	v4 =	vand.u32 $0xFFFFFFE0, v62  }
0x131: {  	v3 =	vor.u32 v3, v4  }
0x132: {  	v4 =	vperm.xlane v3, v0;
	_ =	sdelay $0x1  }
0x133: {  	v4 =	vadd.s32 v1, v4;
	_ =	sdelay $0x1  }
0x134: {  	s28 =	sand.u32 $0xFF, s26;
	v3 =	vperm.xlane v3, v2  }
0x135: {  	s20 =	sshll.u32 s28, $0xE  }
0x136: {  	s29 =	sor.u32 $0xA00, s20;
	v3 =	vadd.s32 v1, v3  }
0x137: {  	[tilespmem:s29], [sflag:$0x1] =	stream.indirect_vreg.gather [hbm4b:s3+s2], $0x80, v4, vm0, $0xb8;
	[tilespmem:$0x18A00] =	vst v63  }
0x138: {  	s30 =	sor.u32 $0x1200, s20  }
0x139: {  	[tilespmem:s30], [sflag:$0x1] =	stream.indirect_vreg.gather [hbm4b:s6+s2], $0x80, v4, vm0, $0xb8;
	[tilespmem:$0x18A00] =	vst v63  }
0x13a: {  	s22 =	sor.u32 $0x1A00, s20  }
0x13b: {  	[tilespmem:s22], [sflag:$0x1] =	stream.indirect_vreg.gather [hbm4b:s3+s2], $0x80, v3, vm0, $0xb8;
	[tilespmem:$0x18A00] =	vst v63  }
0x13c: {  	s25 =	sor.u32 $0x2200, s20  }
0x13d: {  	[tilespmem:s25], [sflag:$0x1] =	stream.indirect_vreg.gather [hbm4b:s6+s2], $0x80, v3, vm0, $0xb8;
	[tilespmem:$0x18A00] =	vst v63  }
0x13e: {  	v3 =	vld [tilespmem:s19+$0x0];
	_ =	sdelay $0x4  }
0x13f: {  	v63 =	vshll.u32 v3, $0x2  }
0x140: {  	v3 =	vand.u32 $0x7, v3;
	v4 =	vand.u32 $0xFFFFFFE0, v63  }
0x141: {  	v3 =	vor.u32 v3, v4  }
0x142: {  	v4 =	vperm.xlane v3, v0;
	_ =	sdelay $0x1  }
0x143: {  	v4 =	vadd.s32 v1, v4;
	_ =	sdelay $0x1  }
0x144: {  	v3 =	vperm.xlane v3, v2;
	_ =	sdelay $0x1  }
0x145: {  	s26 =	sor.u32 $0x2A00, s20;
	v3 =	vadd.s32 v1, v3  }
0x146: {  	[tilespmem:s26], [sflag:$0x1] =	stream.indirect_vreg.gather [hbm4b:s3+s2], $0x80, v4, vm0, $0xb8;
	[tilespmem:$0x18A00] =	vst v63  }
0x147: {  	s28 =	sor.u32 $0x3200, s20  }
0x148: {  	[tilespmem:s28], [sflag:$0x1] =	stream.indirect_vreg.gather [hbm4b:s6+s2], $0x80, v4, vm0, $0xb8;
	[tilespmem:$0x18A00] =	vst v63  }
0x149: {  	s29 =	sor.u32 $0x3A00, s20  }
0x14a: {  	[tilespmem:s29], [sflag:$0x1] =	stream.indirect_vreg.gather [hbm4b:s3+s2], $0x80, v3, vm0, $0xb8;
	[tilespmem:$0x18A00] =	vst v63  }
0x14b: {  	s30 =	sadd.s32 $0x4200, s20  }
0x14c: {  	[tilespmem:s30], [sflag:$0x1] =	stream.indirect_vreg.gather [hbm4b:s6+s2], $0x80, v3, vm0, $0xb8;
	[tilespmem:$0x18A00] =	vst v63  }
0x14d: {  	_ =	swait.ge [sflag:s1], $0x4000  }
0x14e: {  	[sflag:s1] =	ssyncset.done $0x0  }
0x14f: {  	[sflag:s1] =	ssyncadd.s32 $0xFFFFC000  }
0x150: {  	[hbm4b:s9+s2] =	stream.linear.scatter [tilespmem:s0], [sflag:$0x2], $0x4000, $0x38;
	[tilespmem:$0x18A00] =	vst v63  }
0x151: {  	_ =	swait.ge [sflag:s17], $0x4000  }
0x152: {  	[sflag:s17] =	ssyncset.done $0x0  }
0x153: {  	[sflag:s17] =	ssyncadd.s32 $0xFFFFC000  }
0x154: {  	_ =	swait.ge [sflag:s1], $0x4000  }
0x155: {  	[sflag:s1] =	ssyncset.done $0x0  }
0x156: {  	[sflag:s1] =	ssyncadd.s32 $0xFFFFC000  }
0x157: {  	[hbm4b:s10+s2] =	stream.linear.scatter [tilespmem:s24], [sflag:$0x2], $0x4000, $0x38;
	[tilespmem:$0x18A00] =	vst v63  }
0x158: {  	_ =	swait.ge [sflag:s17], $0x4000  }
0x159: {  	[sflag:s17] =	ssyncset.done $0x0  }
0x15a: {  	[sflag:s17] =	ssyncadd.s32 $0xFFFFC000  }
0x15b: {  	_ =	swait.ge [sflag:s1], $0x4000  }
0x15c: {  	[sflag:s1] =	ssyncset.done $0x0  }
0x15d: {  	[sflag:s1] =	ssyncadd.s32 $0xFFFFC000  }
0x15e: {  	[hbm4b:s11+s2] =	stream.linear.scatter [tilespmem:s15], [sflag:$0x2], $0x4000, $0x38;
	[tilespmem:$0x18A00] =	vst v63  }
0x15f: {  	_ =	swait.ge [sflag:s17], $0x4000  }
0x160: {  	[sflag:s17] =	ssyncset.done $0x0  }
0x161: {  	[sflag:s17] =	ssyncadd.s32 $0xFFFFC000  }
0x162: {  	_ =	swait.ge [sflag:s1], $0x4000  }
0x163: {  	[sflag:s1] =	ssyncset.done $0x0  }
0x164: {  	[sflag:s1] =	ssyncadd.s32 $0xFFFFC000  }
0x165: {  	[hbm4b:s12+s2] =	stream.linear.scatter [tilespmem:s23], [sflag:$0x2], $0x4000, $0x38;
	[tilespmem:$0x18A00] =	vst v63  }
0x166: {  	_ =	swait.ge [sflag:s17], $0x4000  }
0x167: {  	[sflag:s17] =	ssyncset.done $0x0  }
0x168: {  	s18 =	sadd.s32 $0x1, s18;
	[sflag:s17] =	ssyncadd.s32 $0xFFFFC000  }
0x169: {  	p0 =	sne.s32 s18, s8;
	_ =	swait.ge [sflag:s17], $0x4000  }
.Ltmp1:
0x16a: {  	[sflag:s17] =	ssyncset.done $0x0;
	(pc) =	sbr.rel @p0 .LBB2_1-.Ltmp1, $4  }
0x16b: {  	[sflag:s17] =	ssyncadd.s32 $0xFFFFC000  }
0x16c: {  	_ =	swait.ge [sflag:s17], $0x4000  }
0x16d: {  	[sflag:s17] =	ssyncset.done $0x0  }
0x16e: {  	[sflag:s17] =	ssyncadd.s32 $0xFFFFC000  }
0x16f: {  	_ =	sfence.sel $0x180000  }
0x170: {  	[bflag:$0x0] =	sbarrier.arrive $0xFFFF  }
0x171: {  	_ =	strace $0x90000047  }
0x172: {  	s0 =	stileid.u32;
	[bflag:$0x2] =	sbarrier.arrive $0xFFFF  }
0x173: {  	p0 =	sne.s32 s0, $0x0;
	s0 =	rddreg [dreg:$0x2]  }
0x174: {  	s0 =	sadd.s32 @!p0 $0x100000, s0  }
0x175: {  	[sflag:s0] =	ssyncadd.tile.s32 @!p0 $0x1;
	_ =	shalt  }
.Lfunc_end2:
_tile_overlayer_lowered:
.L_overlay_start_2:
0x176: {  	(tag) =	ssettag $0x2  }
0x177: {  	s0 =	rddreg [dreg:$0x0];
	s2 =	stileid.u32  }
0x178: {  	s1 =	rddreg [dreg:$0x1];
	p0 =	sne.s32 s2, $0x0  }
0x179: {  	s3 =	rddreg [dreg:$0x2];
	[bflag:$0x3] =	sbarrier.arrive $0xFFFF;
	s2 =	simm.s32 @!p0 $0x1C03  }
0x17a: {  	[timem:s3], [sflag:s2] =	dma.local @!p0 [hbm:s0], s1  }
0x17b: {  	s0 =	simm.s32 @!p0 $0x3  }
0x17c: {  	_ =	swait.ge @!p0 [sflag:s0], s1  }
0x17d: {  	s1 =	ssub.s32 @!p0 $0x0, s1;
	[sflag:s0] =	ssyncset.done @!p0 $0x0  }
0x17e: {  	[sflag:s0] =	ssyncadd.s32 @!p0 s1  }
0x17f: {  	[bflag:$0x3] =	sbarrier.arrive $0xFFFF  }
0x180: {  	_ =	shalt  }

</sc_bundles>
